<compile_context>
chip_gen: v7x
topology: tpu7x:2x2x1
jax: 0.10.2.dev20260603
libtpu: 0.0.44.dev20260713+nightly
codegen_flags: <defaults>
</compile_context>

<pallas_src>
import functools

import jax
import jax.numpy as jnp
from jax import lax
from jax.experimental import pallas as pl
from jax.experimental.pallas import tpu as pltpu
from jax.experimental.pallas import tpu_sc as plsc

_NC = 2
_NS = 16
_NW = _NC * _NS
_L = 16
_FCHUNK = 4096
_NACC = 4


@jax.jit
def _partials(ft, labels, ct):
    D, B = ft.shape
    V = ct.shape[1]
    dims_per_w = D // _NW
    nchunk = B // _FCHUNK
    mesh = plsc.VectorSubcoreMesh(core_axis_name="c", subcore_axis_name="s")

    @functools.partial(
        pl.kernel,
        out_type=jax.ShapeDtypeStruct((_NW, _L), jnp.float32),
        mesh=mesh,
        scratch_types=[
            pltpu.VMEM((B,), jnp.int32),
            pltpu.VMEM((2, _FCHUNK), jnp.float32),
            pltpu.VMEM((V,), jnp.float32),
            pltpu.VMEM((_L,), jnp.float32),
            pltpu.SemaphoreType.DMA,
            pltpu.SemaphoreType.DMA,
            pltpu.SemaphoreType.DMA,
            pltpu.SemaphoreType.DMA,
        ],
        compiler_params=pltpu.CompilerParams(needs_layout_passes=False),
    )
    def sc_kernel(ft_hbm, labels_hbm, ct_hbm, out_hbm,
                  lab_v, frow_v, crow_v, acc_v,
                  lab_sem, crow_sem, fsem0, fsem1):
        wid = lax.axis_index("s") * _NC + lax.axis_index("c")
        d0 = wid * dims_per_w
        fsems = (fsem0, fsem1)

        crow_cp = pltpu.async_copy(ct_hbm.at[d0], crow_v, crow_sem)
        lab_cp = pltpu.async_copy(labels_hbm, lab_v, lab_sem)
        f_cp = pltpu.async_copy(
            ft_hbm.at[d0, pl.ds(0, _FCHUNK)], frow_v.at[0], fsems[0])
        lab_cp.wait()

        zeros = tuple(jnp.zeros((_L,), jnp.float32) for _ in range(_NACC))
        accs = zeros
        pending = f_cp
        for di in range(dims_per_w):
            d = d0 + di
            for c in range(nchunk):
                buf = (di * nchunk + c) % 2
                pending.wait()
                nxt = di * nchunk + c + 1
                if nxt < dims_per_w * nchunk:
                    nd, nc = divmod(nxt, nchunk)
                    pending = pltpu.async_copy(
                        ft_hbm.at[d0 + nd, pl.ds(nc * _FCHUNK, _FCHUNK)],
                        frow_v.at[nxt % 2], fsems[nxt % 2])
                if c == 0:
                    crow_cp.wait()

                base = c * _FCHUNK

                @plsc.parallel_loop(0, _FCHUNK, step=_NACC * _L, unroll=2,
                                    carry=accs)
                def accs(i, acc_in):
                    out = []
                    for k in range(_NACC):
                        off = i + k * _L
                        idx = lab_v[pl.ds(base + off, _L)]
                        g = plsc.load_gather(crow_v, [idx])
                        f = frow_v[buf, pl.ds(off, _L)]
                        dd = f - g
                        out.append(acc_in[k] + dd * dd)
                    return tuple(out)

            if di + 1 < dims_per_w:
                crow_cp = pltpu.async_copy(
                    ct_hbm.at[d0 + di + 1], crow_v, crow_sem)

        total = accs[0]
        for k in range(1, _NACC):
            total = total + accs[k]
        acc_v[...] = total
        pltpu.sync_copy(acc_v, out_hbm.at[wid])

    return sc_kernel(ft, labels, ct)


def kernel(features, labels, centers):
    B = features.shape[0]
    partials = _partials(features.T, labels.astype(jnp.int32), centers.T)
    return jnp.sum(partials) / 2.0 / B

# --- scband reference (transcript-rebuilt; emitter-appended) ---
"""Pipeline reference for scband-center-loss-6133213298699 (READ-ONLY COPY).

The authoritative reference and input builder live on the scoring server;
editing this copy changes nothing except your own understanding.
"""

import jax, jax.numpy as jnp
import numpy as np

NUM_CLASSES = 100000
FEAT_DIM = 64
BATCH = 16384


def setup_inputs(seed: int = 0) -> dict:
    key = jax.random.key(seed)
    k1, k2, k3 = jax.random.split(key, 3)
    features = jax.random.normal(k1, (BATCH, FEAT_DIM), dtype=jnp.float32)
    labels = jax.random.randint(k2, (BATCH,), 0, NUM_CLASSES, dtype=jnp.int64 if jax.config.jax_enable_x64 else jnp.int32)
    centers = jax.random.normal(k3, (NUM_CLASSES, FEAT_DIM), dtype=jnp.float32)
    return {"features": features, "labels": labels, "centers": centers}


def reference(features, labels, centers):
    batch_size = features.shape[0]
    # gather: centers_batch = self.centers[labels]
    centers_batch = jnp.take(centers, labels, axis=0)
    loss = jnp.sum((features - centers_batch) ** 2) / 2.0 / batch_size
    return loss

if __name__ == "__main__":
    import jax
    _d = setup_inputs()
    print(jax.jit(kernel)(*tuple(_d.values())))

</pallas_src>

<mosaic_0001>
#map = affine_map<(d0, d1) -> (0, 0)>
#map1 = affine_map<(d0, d1) -> (0)>
module attributes {stable_mosaic.version = 14 : i64} {
  func.func @sc_kernel(%arg0: i32, %arg1: i32, %arg2: memref<64x16384xf32, #tpu.memory_space<hbm>>, %arg3: memref<16384xi32, #tpu.memory_space<hbm>>, %arg4: memref<64x100000xf32, #tpu.memory_space<hbm>>, %arg5: memref<32x16xf32, #tpu.memory_space<hbm>>, %arg6: memref<16384xi32, #tpu.memory_space<vmem>>, %arg7: memref<2x4096xf32, #tpu.memory_space<vmem>>, %arg8: memref<100000xf32, #tpu.memory_space<vmem>>, %arg9: memref<16xf32, #tpu.memory_space<vmem>>, %arg10: memref<!tpu.dma_semaphore, #tpu.memory_space<semaphore_mem>>, %arg11: memref<!tpu.dma_semaphore, #tpu.memory_space<semaphore_mem>>, %arg12: memref<!tpu.dma_semaphore, #tpu.memory_space<semaphore_mem>>, %arg13: memref<!tpu.dma_semaphore, #tpu.memory_space<semaphore_mem>>) attributes {dimension_semantics = [#tpu.dimension_semantics<core_parallel>, #tpu.dimension_semantics<subcore_parallel>], iteration_bounds = array<i64: 2, 16>, scalar_prefetch = 0 : i64, scratch_operands = 8 : i64, tpu.core_type = #tpu.core_type<sc_vector_subcore>, window_params = [{transform_indices = #map}, {transform_indices = #map1}, {transform_indices = #map}, {transform_indices = #map}]} {
    %mul3A = arith.constant 2 : i32
    %mul3A_0 = arith.muli %arg1, %mul3A : i32
    %add3A = arith.addi %mul3A_0, %arg0 : i32
    %mul3A_1 = arith.constant 2 : i32
    %mul3A_2 = arith.muli %add3A, %mul3A_1 : i32
    %dma_start3A = arith.constant 0 : i32
    %dma_start3A_3 = tpu.memref_slice %arg4[%mul3A_2, %dma_start3A] : memref<64x100000xf32, #tpu.memory_space<hbm>> -> memref<1x100000xf32, #tpu.memory_space<hbm>>
    %dma_start3A_4 = tpu.memref_squeeze %dma_start3A_3 : memref<1x100000xf32, #tpu.memory_space<hbm>> -> memref<100000xf32, #tpu.memory_space<hbm>>
    %dma_start3A_5 = arith.constant 0 : i32
    %dma_start3A_6 = tpu.memref_slice %arg4[%mul3A_2, %dma_start3A_5] : memref<64x100000xf32, #tpu.memory_space<hbm>> -> memref<1x100000xf32, #tpu.memory_space<hbm>>
    %dma_start3A_7 = tpu.memref_squeeze %dma_start3A_6 : memref<1x100000xf32, #tpu.memory_space<hbm>> -> memref<100000xf32, #tpu.memory_space<hbm>>
    tpu.enqueue_dma source(%dma_start3A_7 : memref<100000xf32, #tpu.memory_space<hbm>>) target(%arg8 : memref<100000xf32, #tpu.memory_space<vmem>>) target_semaphore(%arg11 : memref<!tpu.dma_semaphore, #tpu.memory_space<semaphore_mem>>)
    tpu.enqueue_dma source(%arg3 : memref<16384xi32, #tpu.memory_space<hbm>>) target(%arg6 : memref<16384xi32, #tpu.memory_space<vmem>>) target_semaphore(%arg10 : memref<!tpu.dma_semaphore, #tpu.memory_space<semaphore_mem>>)
    %dma_start3A_8 = arith.constant 0 : i32
    %dma_start3A_9 = arith.constant 0 : i32
    %dma_start3A_10 = tpu.memref_slice %arg7[%dma_start3A_8, %dma_start3A_9] : memref<2x4096xf32, #tpu.memory_space<vmem>> -> memref<1x4096xf32, #tpu.memory_space<vmem>>
    %dma_start3A_11 = tpu.memref_squeeze %dma_start3A_10 : memref<1x4096xf32, #tpu.memory_space<vmem>> -> memref<4096xf32, #tpu.memory_space<vmem>>
    %dma_start3A_12 = arith.constant 0 : i32
    %dma_start3A_13 = tpu.memref_slice %arg2[%mul3A_2, %dma_start3A_12] : memref<64x16384xf32, #tpu.memory_space<hbm>> -> memref<1x4096xf32, #tpu.memory_space<hbm>>
    %dma_start3A_14 = tpu.memref_squeeze %dma_start3A_13 : memref<1x4096xf32, #tpu.memory_space<hbm>> -> memref<4096xf32, #tpu.memory_space<hbm>>
    %dma_start3A_15 = arith.constant 0 : i32
    %dma_start3A_16 = tpu.memref_slice %arg7[%dma_start3A_8, %dma_start3A_15] : memref<2x4096xf32, #tpu.memory_space<vmem>> -> memref<1x4096xf32, #tpu.memory_space<vmem>>
    %dma_start3A_17 = tpu.memref_squeeze %dma_start3A_16 : memref<1x4096xf32, #tpu.memory_space<vmem>> -> memref<4096xf32, #tpu.memory_space<vmem>>
    %dma_start3A_18 = arith.constant 0 : i32
    %dma_start3A_19 = tpu.memref_slice %arg2[%mul3A_2, %dma_start3A_18] : memref<64x16384xf32, #tpu.memory_space<hbm>> -> memref<1x4096xf32, #tpu.memory_space<hbm>>
    %dma_start3A_20 = tpu.memref_squeeze %dma_start3A_19 : memref<1x4096xf32, #tpu.memory_space<hbm>> -> memref<4096xf32, #tpu.memory_space<hbm>>
    tpu.enqueue_dma source(%dma_start3A_20 : memref<4096xf32, #tpu.memory_space<hbm>>) target(%dma_start3A_17 : memref<4096xf32, #tpu.memory_space<vmem>>) target_semaphore(%arg12 : memref<!tpu.dma_semaphore, #tpu.memory_space<semaphore_mem>>)
    tpu.wait_dma2 semaphore(%arg10 : memref<!tpu.dma_semaphore, #tpu.memory_space<semaphore_mem>>) src(%arg3 : memref<16384xi32, #tpu.memory_space<hbm>>) dst(%arg6 : memref<16384xi32, #tpu.memory_space<vmem>>)
    %broadcast_in_dim3A = arith.constant 0.000000e+00 : f32
    %broadcast_in_dim3A_21 = vector.broadcast %broadcast_in_dim3A : f32 to vector<16xf32>
    %broadcast_in_dim3A_22 = arith.constant 0.000000e+00 : f32
    %broadcast_in_dim3A_23 = vector.broadcast %broadcast_in_dim3A_22 : f32 to vector<16xf32>
    %broadcast_in_dim3A_24 = arith.constant 0.000000e+00 : f32
    %broadcast_in_dim3A_25 = vector.broadcast %broadcast_in_dim3A_24 : f32 to vector<16xf32>
    %broadcast_in_dim3A_26 = arith.constant 0.000000e+00 : f32
    %broadcast_in_dim3A_27 = vector.broadcast %broadcast_in_dim3A_26 : f32 to vector<16xf32>
    %add3A_28 = arith.constant 0 : i32
    %add3A_29 = arith.addi %mul3A_2, %add3A_28 : i32
    %dma_wait3A = arith.constant 0 : i32
    %dma_wait3A_30 = arith.constant 0 : i32
    %dma_wait3A_31 = tpu.memref_slice %arg7[%dma_wait3A, %dma_wait3A_30] : memref<2x4096xf32, #tpu.memory_space<vmem>> -> memref<1x4096xf32, #tpu.memory_space<vmem>>
    %dma_wait3A_32 = tpu.memref_squeeze %dma_wait3A_31 : memref<1x4096xf32, #tpu.memory_space<vmem>> -> memref<4096xf32, #tpu.memory_space<vmem>>
    %dma_wait3A_33 = arith.constant 0 : i32
    %dma_wait3A_34 = tpu.memref_slice %arg2[%mul3A_2, %dma_wait3A_33] : memref<64x16384xf32, #tpu.memory_space<hbm>> -> memref<1x4096xf32, #tpu.memory_space<hbm>>
    %dma_wait3A_35 = tpu.memref_squeeze %dma_wait3A_34 : memref<1x4096xf32, #tpu.memory_space<hbm>> -> memref<4096xf32, #tpu.memory_space<hbm>>
    %dma_wait3A_36 = arith.constant 0 : i32
    %dma_wait3A_37 = tpu.memref_slice %arg7[%dma_wait3A, %dma_wait3A_36] : memref<2x4096xf32, #tpu.memory_space<vmem>> -> memref<1x4096xf32, #tpu.memory_space<vmem>>
    %dma_wait3A_38 = tpu.memref_squeeze %dma_wait3A_37 : memref<1x4096xf32, #tpu.memory_space<vmem>> -> memref<4096xf32, #tpu.memory_space<vmem>>
    %dma_wait3A_39 = arith.constant 0 : i32
    %dma_wait3A_40 = tpu.memref_slice %arg2[%mul3A_2, %dma_wait3A_39] : memref<64x16384xf32, #tpu.memory_space<hbm>> -> memref<1x4096xf32, #tpu.memory_space<hbm>>
    %dma_wait3A_41 = tpu.memref_squeeze %dma_wait3A_40 : memref<1x4096xf32, #tpu.memory_space<hbm>> -> memref<4096xf32, #tpu.memory_space<hbm>>
    tpu.wait_dma2 semaphore(%arg12 : memref<!tpu.dma_semaphore, #tpu.memory_space<semaphore_mem>>) src(%dma_wait3A_41 : memref<4096xf32, #tpu.memory_space<hbm>>) dst(%dma_wait3A_38 : memref<4096xf32, #tpu.memory_space<vmem>>)
    %add3A_42 = arith.constant 0 : i32
    %add3A_43 = arith.addi %mul3A_2, %add3A_42 : i32
    %dma_start3A_44 = arith.constant 1 : i32
    %dma_start3A_45 = arith.constant 0 : i32
    %dma_start3A_46 = tpu.memref_slice %arg7[%dma_start3A_44, %dma_start3A_45] : memref<2x4096xf32, #tpu.memory_space<vmem>> -> memref<1x4096xf32, #tpu.memory_space<vmem>>
    %dma_start3A_47 = tpu.memref_squeeze %dma_start3A_46 : memref<1x4096xf32, #tpu.memory_space<vmem>> -> memref<4096xf32, #tpu.memory_space<vmem>>
    %dma_start3A_48 = arith.constant 4096 : i32
    %dma_start3A_49 = tpu.memref_slice %arg2[%add3A_43, %dma_start3A_48] : memref<64x16384xf32, #tpu.memory_space<hbm>> -> memref<1x4096xf32, #tpu.memory_space<hbm>>
    %dma_start3A_50 = tpu.memref_squeeze %dma_start3A_49 : memref<1x4096xf32, #tpu.memory_space<hbm>> -> memref<4096xf32, #tpu.memory_space<hbm>>
    %dma_start3A_51 = arith.constant 0 : i32
    %dma_start3A_52 = tpu.memref_slice %arg7[%dma_start3A_44, %dma_start3A_51] : memref<2x4096xf32, #tpu.memory_space<vmem>> -> memref<1x4096xf32, #tpu.memory_space<vmem>>
    %dma_start3A_53 = tpu.memref_squeeze %dma_start3A_52 : memref<1x4096xf32, #tpu.memory_space<vmem>> -> memref<4096xf32, #tpu.memory_space<vmem>>
    %dma_start3A_54 = arith.constant 4096 : i32
    %dma_start3A_55 = tpu.memref_slice %arg2[%add3A_43, %dma_start3A_54] : memref<64x16384xf32, #tpu.memory_space<hbm>> -> memref<1x4096xf32, #tpu.memory_space<hbm>>
    %dma_start3A_56 = tpu.memref_squeeze %dma_start3A_55 : memref<1x4096xf32, #tpu.memory_space<hbm>> -> memref<4096xf32, #tpu.memory_space<hbm>>
    tpu.enqueue_dma source(%dma_start3A_56 : memref<4096xf32, #tpu.memory_space<hbm>>) target(%dma_start3A_53 : memref<4096xf32, #tpu.memory_space<vmem>>) target_semaphore(%arg13 : memref<!tpu.dma_semaphore, #tpu.memory_space<semaphore_mem>>)
    %dma_wait3A_57 = arith.constant 0 : i32
    %dma_wait3A_58 = tpu.memref_slice %arg4[%mul3A_2, %dma_wait3A_57] : memref<64x100000xf32, #tpu.memory_space<hbm>> -> memref<1x100000xf32, #tpu.memory_space<hbm>>
    %dma_wait3A_59 = tpu.memref_squeeze %dma_wait3A_58 : memref<1x100000xf32, #tpu.memory_space<hbm>> -> memref<100000xf32, #tpu.memory_space<hbm>>
    %dma_wait3A_60 = arith.constant 0 : i32
    %dma_wait3A_61 = tpu.memref_slice %arg4[%mul3A_2, %dma_wait3A_60] : memref<64x100000xf32, #tpu.memory_space<hbm>> -> memref<1x100000xf32, #tpu.memory_space<hbm>>
    %dma_wait3A_62 = tpu.memref_squeeze %dma_wait3A_61 : memref<1x100000xf32, #tpu.memory_space<hbm>> -> memref<100000xf32, #tpu.memory_space<hbm>>
    tpu.wait_dma2 semaphore(%arg11 : memref<!tpu.dma_semaphore, #tpu.memory_space<semaphore_mem>>) src(%dma_wait3A_62 : memref<100000xf32, #tpu.memory_space<hbm>>) dst(%arg8 : memref<100000xf32, #tpu.memory_space<vmem>>)
    %parallel_loop3A = arith.constant 0 : i32
    %parallel_loop3A_63 = arith.constant 4096 : i32
    %parallel_loop3A_64 = arith.constant 64 : i32
    %parallel_loop3A_65:4 = scf.for %parallel_loop3A_297 = %parallel_loop3A to %parallel_loop3A_63 step %parallel_loop3A_64 iter_args(%parallel_loop3A_298 = %broadcast_in_dim3A_21, %parallel_loop3A_299 = %broadcast_in_dim3A_23, %parallel_loop3A_300 = %broadcast_in_dim3A_25, %parallel_loop3A_301 = %broadcast_in_dim3A_27) -> (vector<16xf32>, vector<16xf32>, vector<16xf32>, vector<16xf32>)  : i32 {
      %parallel_loop3A_302 = arith.constant 0 : i32
      %parallel_loop3A_303 = arith.addi %parallel_loop3A_297, %parallel_loop3A_302 : i32
      %parallel_loop3A_304 = arith.constant 0 : i32
      %parallel_loop3A_305 = arith.addi %parallel_loop3A_304, %parallel_loop3A_303 : i32
      %parallel_loop3A_306 = arith.index_cast %parallel_loop3A_305 : i32 to index
      %parallel_loop3A_307 = tpu.vector_load %arg6[%parallel_loop3A_306] {strides = array<i32>} : memref<16384xi32, #tpu.memory_space<vmem>>, vector<16xi32>,
      %parallel_loop3A_308 = tpu.vector_load_idx %arg8[%parallel_loop3A_307] : memref<100000xf32, #tpu.memory_space<vmem>>[vector<16xi32>], vector<16xf32>,
      %parallel_loop3A_309 = arith.constant 0 : i32
      %parallel_loop3A_310 = arith.index_cast %parallel_loop3A_309 : i32 to index
      %parallel_loop3A_311 = arith.index_cast %parallel_loop3A_303 : i32 to index
      %parallel_loop3A_312 = tpu.vector_load %arg7[%parallel_loop3A_310, %parallel_loop3A_311] {strides = array<i32>} : memref<2x4096xf32, #tpu.memory_space<vmem>>, vector<16xf32>,
      %parallel_loop3A_313 = arith.subf %parallel_loop3A_312, %parallel_loop3A_308 : vector<16xf32>
      %parallel_loop3A_314 = arith.mulf %parallel_loop3A_313, %parallel_loop3A_313 : vector<16xf32>
      %parallel_loop3A_315 = arith.addf %parallel_loop3A_298, %parallel_loop3A_314 : vector<16xf32>
      %parallel_loop3A_316 = arith.constant 16 : i32
      %parallel_loop3A_317 = arith.addi %parallel_loop3A_297, %parallel_loop3A_316 : i32
      %parallel_loop3A_318 = arith.constant 0 : i32
      %parallel_loop3A_319 = arith.addi %parallel_loop3A_318, %parallel_loop3A_317 : i32
      %parallel_loop3A_320 = arith.index_cast %parallel_loop3A_319 : i32 to index
      %parallel_loop3A_321 = tpu.vector_load %arg6[%parallel_loop3A_320] {strides = array<i32>} : memref<16384xi32, #tpu.memory_space<vmem>>, vector<16xi32>,
      %parallel_loop3A_322 = tpu.vector_load_idx %arg8[%parallel_loop3A_321] : memref<100000xf32, #tpu.memory_space<vmem>>[vector<16xi32>], vector<16xf32>,
      %parallel_loop3A_323 = arith.constant 0 : i32
      %parallel_loop3A_324 = arith.index_cast %parallel_loop3A_323 : i32 to index
      %parallel_loop3A_325 = arith.index_cast %parallel_loop3A_317 : i32 to index
      %parallel_loop3A_326 = tpu.vector_load %arg7[%parallel_loop3A_324, %parallel_loop3A_325] {strides = array<i32>} : memref<2x4096xf32, #tpu.memory_space<vmem>>, vector<16xf32>,
      %parallel_loop3A_327 = arith.subf %parallel_loop3A_326, %parallel_loop3A_322 : vector<16xf32>
      %parallel_loop3A_328 = arith.mulf %parallel_loop3A_327, %parallel_loop3A_327 : vector<16xf32>
      %parallel_loop3A_329 = arith.addf %parallel_loop3A_299, %parallel_loop3A_328 : vector<16xf32>
      %parallel_loop3A_330 = arith.constant 32 : i32
      %parallel_loop3A_331 = arith.addi %parallel_loop3A_297, %parallel_loop3A_330 : i32
      %parallel_loop3A_332 = arith.constant 0 : i32
      %parallel_loop3A_333 = arith.addi %parallel_loop3A_332, %parallel_loop3A_331 : i32
      %parallel_loop3A_334 = arith.index_cast %parallel_loop3A_333 : i32 to index
      %parallel_loop3A_335 = tpu.vector_load %arg6[%parallel_loop3A_334] {strides = array<i32>} : memref<16384xi32, #tpu.memory_space<vmem>>, vector<16xi32>,
      %parallel_loop3A_336 = tpu.vector_load_idx %arg8[%parallel_loop3A_335] : memref<100000xf32, #tpu.memory_space<vmem>>[vector<16xi32>], vector<16xf32>,
      %parallel_loop3A_337 = arith.constant 0 : i32
      %parallel_loop3A_338 = arith.index_cast %parallel_loop3A_337 : i32 to index
      %parallel_loop3A_339 = arith.index_cast %parallel_loop3A_331 : i32 to index
      %parallel_loop3A_340 = tpu.vector_load %arg7[%parallel_loop3A_338, %parallel_loop3A_339] {strides = array<i32>} : memref<2x4096xf32, #tpu.memory_space<vmem>>, vector<16xf32>,
      %parallel_loop3A_341 = arith.subf %parallel_loop3A_340, %parallel_loop3A_336 : vector<16xf32>
      %parallel_loop3A_342 = arith.mulf %parallel_loop3A_341, %parallel_loop3A_341 : vector<16xf32>
      %parallel_loop3A_343 = arith.addf %parallel_loop3A_300, %parallel_loop3A_342 : vector<16xf32>
      %parallel_loop3A_344 = arith.constant 48 : i32
      %parallel_loop3A_345 = arith.addi %parallel_loop3A_297, %parallel_loop3A_344 : i32
      %parallel_loop3A_346 = arith.constant 0 : i32
      %parallel_loop3A_347 = arith.addi %parallel_loop3A_346, %parallel_loop3A_345 : i32
      %parallel_loop3A_348 = arith.index_cast %parallel_loop3A_347 : i32 to index
      %parallel_loop3A_349 = tpu.vector_load %arg6[%parallel_loop3A_348] {strides = array<i32>} : memref<16384xi32, #tpu.memory_space<vmem>>, vector<16xi32>,
      %parallel_loop3A_350 = tpu.vector_load_idx %arg8[%parallel_loop3A_349] : memref<100000xf32, #tpu.memory_space<vmem>>[vector<16xi32>], vector<16xf32>,
      %parallel_loop3A_351 = arith.constant 0 : i32
      %parallel_loop3A_352 = arith.index_cast %parallel_loop3A_351 : i32 to index
      %parallel_loop3A_353 = arith.index_cast %parallel_loop3A_345 : i32 to index
      %parallel_loop3A_354 = tpu.vector_load %arg7[%parallel_loop3A_352, %parallel_loop3A_353] {strides = array<i32>} : memref<2x4096xf32, #tpu.memory_space<vmem>>, vector<16xf32>,
      %parallel_loop3A_355 = arith.subf %parallel_loop3A_354, %parallel_loop3A_350 : vector<16xf32>
      %parallel_loop3A_356 = arith.mulf %parallel_loop3A_355, %parallel_loop3A_355 : vector<16xf32>
      %parallel_loop3A_357 = arith.addf %parallel_loop3A_301, %parallel_loop3A_356 : vector<16xf32>
      scf.yield %parallel_loop3A_315, %parallel_loop3A_329, %parallel_loop3A_343, %parallel_loop3A_357 : vector<16xf32>, vector<16xf32>, vector<16xf32>, vector<16xf32>
    } {sc.loop_unroll_factor = 2 : i64, sc.parallel_access}
    %dma_wait3A_66 = arith.constant 1 : i32
    %dma_wait3A_67 = arith.constant 0 : i32
    %dma_wait3A_68 = tpu.memref_slice %arg7[%dma_wait3A_66, %dma_wait3A_67] : memref<2x4096xf32, #tpu.memory_space<vmem>> -> memref<1x4096xf32, #tpu.memory_space<vmem>>
    %dma_wait3A_69 = tpu.memref_squeeze %dma_wait3A_68 : memref<1x4096xf32, #tpu.memory_space<vmem>> -> memref<4096xf32, #tpu.memory_space<vmem>>
    %dma_wait3A_70 = arith.constant 4096 : i32
    %dma_wait3A_71 = tpu.memref_slice %arg2[%add3A_43, %dma_wait3A_70] : memref<64x16384xf32, #tpu.memory_space<hbm>> -> memref<1x4096xf32, #tpu.memory_space<hbm>>
    %dma_wait3A_72 = tpu.memref_squeeze %dma_wait3A_71 : memref<1x4096xf32, #tpu.memory_space<hbm>> -> memref<4096xf32, #tpu.memory_space<hbm>>
    %dma_wait3A_73 = arith.constant 0 : i32
    %dma_wait3A_74 = tpu.memref_slice %arg7[%dma_wait3A_66, %dma_wait3A_73] : memref<2x4096xf32, #tpu.memory_space<vmem>> -> memref<1x4096xf32, #tpu.memory_space<vmem>>
    %dma_wait3A_75 = tpu.memref_squeeze %dma_wait3A_74 : memref<1x4096xf32, #tpu.memory_space<vmem>> -> memref<4096xf32, #tpu.memory_space<vmem>>
    %dma_wait3A_76 = arith.constant 4096 : i32
    %dma_wait3A_77 = tpu.memref_slice %arg2[%add3A_43, %dma_wait3A_76] : memref<64x16384xf32, #tpu.memory_space<hbm>> -> memref<1x4096xf32, #tpu.memory_space<hbm>>
    %dma_wait3A_78 = tpu.memref_squeeze %dma_wait3A_77 : memref<1x4096xf32, #tpu.memory_space<hbm>> -> memref<4096xf32, #tpu.memory_space<hbm>>
    tpu.wait_dma2 semaphore(%arg13 : memref<!tpu.dma_semaphore, #tpu.memory_space<semaphore_mem>>) src(%dma_wait3A_78 : memref<4096xf32, #tpu.memory_space<hbm>>) dst(%dma_wait3A_75 : memref<4096xf32, #tpu.memory_space<vmem>>)
    %add3A_79 = arith.constant 0 : i32
    %add3A_80 = arith.addi %mul3A_2, %add3A_79 : i32
    %dma_start3A_81 = arith.constant 0 : i32
    %dma_start3A_82 = arith.constant 0 : i32
    %dma_start3A_83 = tpu.memref_slice %arg7[%dma_start3A_81, %dma_start3A_82] : memref<2x4096xf32, #tpu.memory_space<vmem>> -> memref<1x4096xf32, #tpu.memory_space<vmem>>
    %dma_start3A_84 = tpu.memref_squeeze %dma_start3A_83 : memref<1x4096xf32, #tpu.memory_space<vmem>> -> memref<4096xf32, #tpu.memory_space<vmem>>
    %dma_start3A_85 = arith.constant 8192 : i32
    %dma_start3A_86 = tpu.memref_slice %arg2[%add3A_80, %dma_start3A_85] : memref<64x16384xf32, #tpu.memory_space<hbm>> -> memref<1x4096xf32, #tpu.memory_space<hbm>>
    %dma_start3A_87 = tpu.memref_squeeze %dma_start3A_86 : memref<1x4096xf32, #tpu.memory_space<hbm>> -> memref<4096xf32, #tpu.memory_space<hbm>>
    %dma_start3A_88 = arith.constant 0 : i32
    %dma_start3A_89 = tpu.memref_slice %arg7[%dma_start3A_81, %dma_start3A_88] : memref<2x4096xf32, #tpu.memory_space<vmem>> -> memref<1x4096xf32, #tpu.memory_space<vmem>>
    %dma_start3A_90 = tpu.memref_squeeze %dma_start3A_89 : memref<1x4096xf32, #tpu.memory_space<vmem>> -> memref<4096xf32, #tpu.memory_space<vmem>>
    %dma_start3A_91 = arith.constant 8192 : i32
    %dma_start3A_92 = tpu.memref_slice %arg2[%add3A_80, %dma_start3A_91] : memref<64x16384xf32, #tpu.memory_space<hbm>> -> memref<1x4096xf32, #tpu.memory_space<hbm>>
    %dma_start3A_93 = tpu.memref_squeeze %dma_start3A_92 : memref<1x4096xf32, #tpu.memory_space<hbm>> -> memref<4096xf32, #tpu.memory_space<hbm>>
    tpu.enqueue_dma source(%dma_start3A_93 : memref<4096xf32, #tpu.memory_space<hbm>>) target(%dma_start3A_90 : memref<4096xf32, #tpu.memory_space<vmem>>) target_semaphore(%arg12 : memref<!tpu.dma_semaphore, #tpu.memory_space<semaphore_mem>>)
    %parallel_loop3A_94 = arith.constant 0 : i32
    %parallel_loop3A_95 = arith.constant 4096 : i32
    %parallel_loop3A_96 = arith.constant 64 : i32
    %parallel_loop3A_97:4 = scf.for %parallel_loop3A_297 = %parallel_loop3A_94 to %parallel_loop3A_95 step %parallel_loop3A_96 iter_args(%parallel_loop3A_298 = %parallel_loop3A_65#0, %parallel_loop3A_299 = %parallel_loop3A_65#1, %parallel_loop3A_300 = %parallel_loop3A_65#2, %parallel_loop3A_301 = %parallel_loop3A_65#3) -> (vector<16xf32>, vector<16xf32>, vector<16xf32>, vector<16xf32>)  : i32 {
      %parallel_loop3A_302 = arith.constant 0 : i32
      %parallel_loop3A_303 = arith.addi %parallel_loop3A_297, %parallel_loop3A_302 : i32
      %parallel_loop3A_304 = arith.constant 4096 : i32
      %parallel_loop3A_305 = arith.addi %parallel_loop3A_304, %parallel_loop3A_303 : i32
      %parallel_loop3A_306 = arith.index_cast %parallel_loop3A_305 : i32 to index
      %parallel_loop3A_307 = tpu.vector_load %arg6[%parallel_loop3A_306] {strides = array<i32>} : memref<16384xi32, #tpu.memory_space<vmem>>, vector<16xi32>,
      %parallel_loop3A_308 = tpu.vector_load_idx %arg8[%parallel_loop3A_307] : memref<100000xf32, #tpu.memory_space<vmem>>[vector<16xi32>], vector<16xf32>,
      %parallel_loop3A_309 = arith.constant 1 : i32
      %parallel_loop3A_310 = arith.index_cast %parallel_loop3A_309 : i32 to index
      %parallel_loop3A_311 = arith.index_cast %parallel_loop3A_303 : i32 to index
      %parallel_loop3A_312 = tpu.vector_load %arg7[%parallel_loop3A_310, %parallel_loop3A_311] {strides = array<i32>} : memref<2x4096xf32, #tpu.memory_space<vmem>>, vector<16xf32>,
      %parallel_loop3A_313 = arith.subf %parallel_loop3A_312, %parallel_loop3A_308 : vector<16xf32>
      %parallel_loop3A_314 = arith.mulf %parallel_loop3A_313, %parallel_loop3A_313 : vector<16xf32>
      %parallel_loop3A_315 = arith.addf %parallel_loop3A_298, %parallel_loop3A_314 : vector<16xf32>
      %parallel_loop3A_316 = arith.constant 16 : i32
      %parallel_loop3A_317 = arith.addi %parallel_loop3A_297, %parallel_loop3A_316 : i32
      %parallel_loop3A_318 = arith.constant 4096 : i32
      %parallel_loop3A_319 = arith.addi %parallel_loop3A_318, %parallel_loop3A_317 : i32
      %parallel_loop3A_320 = arith.index_cast %parallel_loop3A_319 : i32 to index
      %parallel_loop3A_321 = tpu.vector_load %arg6[%parallel_loop3A_320] {strides = array<i32>} : memref<16384xi32, #tpu.memory_space<vmem>>, vector<16xi32>,
      %parallel_loop3A_322 = tpu.vector_load_idx %arg8[%parallel_loop3A_321] : memref<100000xf32, #tpu.memory_space<vmem>>[vector<16xi32>], vector<16xf32>,
      %parallel_loop3A_323 = arith.constant 1 : i32
      %parallel_loop3A_324 = arith.index_cast %parallel_loop3A_323 : i32 to index
      %parallel_loop3A_325 = arith.index_cast %parallel_loop3A_317 : i32 to index
      %parallel_loop3A_326 = tpu.vector_load %arg7[%parallel_loop3A_324, %parallel_loop3A_325] {strides = array<i32>} : memref<2x4096xf32, #tpu.memory_space<vmem>>, vector<16xf32>,
      %parallel_loop3A_327 = arith.subf %parallel_loop3A_326, %parallel_loop3A_322 : vector<16xf32>
      %parallel_loop3A_328 = arith.mulf %parallel_loop3A_327, %parallel_loop3A_327 : vector<16xf32>
      %parallel_loop3A_329 = arith.addf %parallel_loop3A_299, %parallel_loop3A_328 : vector<16xf32>
      %parallel_loop3A_330 = arith.constant 32 : i32
      %parallel_loop3A_331 = arith.addi %parallel_loop3A_297, %parallel_loop3A_330 : i32
      %parallel_loop3A_332 = arith.constant 4096 : i32
      %parallel_loop3A_333 = arith.addi %parallel_loop3A_332, %parallel_loop3A_331 : i32
      %parallel_loop3A_334 = arith.index_cast %parallel_loop3A_333 : i32 to index
      %parallel_loop3A_335 = tpu.vector_load %arg6[%parallel_loop3A_334] {strides = array<i32>} : memref<16384xi32, #tpu.memory_space<vmem>>, vector<16xi32>,
      %parallel_loop3A_336 = tpu.vector_load_idx %arg8[%parallel_loop3A_335] : memref<100000xf32, #tpu.memory_space<vmem>>[vector<16xi32>], vector<16xf32>,
      %parallel_loop3A_337 = arith.constant 1 : i32
      %parallel_loop3A_338 = arith.index_cast %parallel_loop3A_337 : i32 to index
      %parallel_loop3A_339 = arith.index_cast %parallel_loop3A_331 : i32 to index
      %parallel_loop3A_340 = tpu.vector_load %arg7[%parallel_loop3A_338, %parallel_loop3A_339] {strides = array<i32>} : memref<2x4096xf32, #tpu.memory_space<vmem>>, vector<16xf32>,
      %parallel_loop3A_341 = arith.subf %parallel_loop3A_340, %parallel_loop3A_336 : vector<16xf32>
      %parallel_loop3A_342 = arith.mulf %parallel_loop3A_341, %parallel_loop3A_341 : vector<16xf32>
      %parallel_loop3A_343 = arith.addf %parallel_loop3A_300, %parallel_loop3A_342 : vector<16xf32>
      %parallel_loop3A_344 = arith.constant 48 : i32
      %parallel_loop3A_345 = arith.addi %parallel_loop3A_297, %parallel_loop3A_344 : i32
      %parallel_loop3A_346 = arith.constant 4096 : i32
      %parallel_loop3A_347 = arith.addi %parallel_loop3A_346, %parallel_loop3A_345 : i32
      %parallel_loop3A_348 = arith.index_cast %parallel_loop3A_347 : i32 to index
      %parallel_loop3A_349 = tpu.vector_load %arg6[%parallel_loop3A_348] {strides = array<i32>} : memref<16384xi32, #tpu.memory_space<vmem>>, vector<16xi32>,
      %parallel_loop3A_350 = tpu.vector_load_idx %arg8[%parallel_loop3A_349] : memref<100000xf32, #tpu.memory_space<vmem>>[vector<16xi32>], vector<16xf32>,
      %parallel_loop3A_351 = arith.constant 1 : i32
      %parallel_loop3A_352 = arith.index_cast %parallel_loop3A_351 : i32 to index
      %parallel_loop3A_353 = arith.index_cast %parallel_loop3A_345 : i32 to index
      %parallel_loop3A_354 = tpu.vector_load %arg7[%parallel_loop3A_352, %parallel_loop3A_353] {strides = array<i32>} : memref<2x4096xf32, #tpu.memory_space<vmem>>, vector<16xf32>,
      %parallel_loop3A_355 = arith.subf %parallel_loop3A_354, %parallel_loop3A_350 : vector<16xf32>
      %parallel_loop3A_356 = arith.mulf %parallel_loop3A_355, %parallel_loop3A_355 : vector<16xf32>
      %parallel_loop3A_357 = arith.addf %parallel_loop3A_301, %parallel_loop3A_356 : vector<16xf32>
      scf.yield %parallel_loop3A_315, %parallel_loop3A_329, %parallel_loop3A_343, %parallel_loop3A_357 : vector<16xf32>, vector<16xf32>, vector<16xf32>, vector<16xf32>
    } {sc.loop_unroll_factor = 2 : i64, sc.parallel_access}
    %dma_wait3A_98 = arith.constant 0 : i32
    %dma_wait3A_99 = arith.constant 0 : i32
    %dma_wait3A_100 = tpu.memref_slice %arg7[%dma_wait3A_98, %dma_wait3A_99] : memref<2x4096xf32, #tpu.memory_space<vmem>> -> memref<1x4096xf32, #tpu.memory_space<vmem>>
    %dma_wait3A_101 = tpu.memref_squeeze %dma_wait3A_100 : memref<1x4096xf32, #tpu.memory_space<vmem>> -> memref<4096xf32, #tpu.memory_space<vmem>>
    %dma_wait3A_102 = arith.constant 8192 : i32
    %dma_wait3A_103 = tpu.memref_slice %arg2[%add3A_80, %dma_wait3A_102] : memref<64x16384xf32, #tpu.memory_space<hbm>> -> memref<1x4096xf32, #tpu.memory_space<hbm>>
    %dma_wait3A_104 = tpu.memref_squeeze %dma_wait3A_103 : memref<1x4096xf32, #tpu.memory_space<hbm>> -> memref<4096xf32, #tpu.memory_space<hbm>>
    %dma_wait3A_105 = arith.constant 0 : i32
    %dma_wait3A_106 = tpu.memref_slice %arg7[%dma_wait3A_98, %dma_wait3A_105] : memref<2x4096xf32, #tpu.memory_space<vmem>> -> memref<1x4096xf32, #tpu.memory_space<vmem>>
    %dma_wait3A_107 = tpu.memref_squeeze %dma_wait3A_106 : memref<1x4096xf32, #tpu.memory_space<vmem>> -> memref<4096xf32, #tpu.memory_space<vmem>>
    %dma_wait3A_108 = arith.constant 8192 : i32
    %dma_wait3A_109 = tpu.memref_slice %arg2[%add3A_80, %dma_wait3A_108] : memref<64x16384xf32, #tpu.memory_space<hbm>> -> memref<1x4096xf32, #tpu.memory_space<hbm>>
    %dma_wait3A_110 = tpu.memref_squeeze %dma_wait3A_109 : memref<1x4096xf32, #tpu.memory_space<hbm>> -> memref<4096xf32, #tpu.memory_space<hbm>>
    tpu.wait_dma2 semaphore(%arg12 : memref<!tpu.dma_semaphore, #tpu.memory_space<semaphore_mem>>) src(%dma_wait3A_110 : memref<4096xf32, #tpu.memory_space<hbm>>) dst(%dma_wait3A_107 : memref<4096xf32, #tpu.memory_space<vmem>>)
    %add3A_111 = arith.constant 0 : i32
    %add3A_112 = arith.addi %mul3A_2, %add3A_111 : i32
    %dma_start3A_113 = arith.constant 1 : i32
    %dma_start3A_114 = arith.constant 0 : i32
    %dma_start3A_115 = tpu.memref_slice %arg7[%dma_start3A_113, %dma_start3A_114] : memref<2x4096xf32, #tpu.memory_space<vmem>> -> memref<1x4096xf32, #tpu.memory_space<vmem>>
    %dma_start3A_116 = tpu.memref_squeeze %dma_start3A_115 : memref<1x4096xf32, #tpu.memory_space<vmem>> -> memref<4096xf32, #tpu.memory_space<vmem>>
    %dma_start3A_117 = arith.constant 12288 : i32
    %dma_start3A_118 = tpu.memref_slice %arg2[%add3A_112, %dma_start3A_117] : memref<64x16384xf32, #tpu.memory_space<hbm>> -> memref<1x4096xf32, #tpu.memory_space<hbm>>
    %dma_start3A_119 = tpu.memref_squeeze %dma_start3A_118 : memref<1x4096xf32, #tpu.memory_space<hbm>> -> memref<4096xf32, #tpu.memory_space<hbm>>
    %dma_start3A_120 = arith.constant 0 : i32
    %dma_start3A_121 = tpu.memref_slice %arg7[%dma_start3A_113, %dma_start3A_120] : memref<2x4096xf32, #tpu.memory_space<vmem>> -> memref<1x4096xf32, #tpu.memory_space<vmem>>
    %dma_start3A_122 = tpu.memref_squeeze %dma_start3A_121 : memref<1x4096xf32, #tpu.memory_space<vmem>> -> memref<4096xf32, #tpu.memory_space<vmem>>
    %dma_start3A_123 = arith.constant 12288 : i32
    %dma_start3A_124 = tpu.memref_slice %arg2[%add3A_112, %dma_start3A_123] : memref<64x16384xf32, #tpu.memory_space<hbm>> -> memref<1x4096xf32, #tpu.memory_space<hbm>>
    %dma_start3A_125 = tpu.memref_squeeze %dma_start3A_124 : memref<1x4096xf32, #tpu.memory_space<hbm>> -> memref<4096xf32, #tpu.memory_space<hbm>>
    tpu.enqueue_dma source(%dma_start3A_125 : memref<4096xf32, #tpu.memory_space<hbm>>) target(%dma_start3A_122 : memref<4096xf32, #tpu.memory_space<vmem>>) target_semaphore(%arg13 : memref<!tpu.dma_semaphore, #tpu.memory_space<semaphore_mem>>)
    %parallel_loop3A_126 = arith.constant 0 : i32
    %parallel_loop3A_127 = arith.constant 4096 : i32
    %parallel_loop3A_128 = arith.constant 64 : i32
    %parallel_loop3A_129:4 = scf.for %parallel_loop3A_297 = %parallel_loop3A_126 to %parallel_loop3A_127 step %parallel_loop3A_128 iter_args(%parallel_loop3A_298 = %parallel_loop3A_97#0, %parallel_loop3A_299 = %parallel_loop3A_97#1, %parallel_loop3A_300 = %parallel_loop3A_97#2, %parallel_loop3A_301 = %parallel_loop3A_97#3) -> (vector<16xf32>, vector<16xf32>, vector<16xf32>, vector<16xf32>)  : i32 {
      %parallel_loop3A_302 = arith.constant 0 : i32
      %parallel_loop3A_303 = arith.addi %parallel_loop3A_297, %parallel_loop3A_302 : i32
      %parallel_loop3A_304 = arith.constant 8192 : i32
      %parallel_loop3A_305 = arith.addi %parallel_loop3A_304, %parallel_loop3A_303 : i32
      %parallel_loop3A_306 = arith.index_cast %parallel_loop3A_305 : i32 to index
      %parallel_loop3A_307 = tpu.vector_load %arg6[%parallel_loop3A_306] {strides = array<i32>} : memref<16384xi32, #tpu.memory_space<vmem>>, vector<16xi32>,
      %parallel_loop3A_308 = tpu.vector_load_idx %arg8[%parallel_loop3A_307] : memref<100000xf32, #tpu.memory_space<vmem>>[vector<16xi32>], vector<16xf32>,
      %parallel_loop3A_309 = arith.constant 0 : i32
      %parallel_loop3A_310 = arith.index_cast %parallel_loop3A_309 : i32 to index
      %parallel_loop3A_311 = arith.index_cast %parallel_loop3A_303 : i32 to index
      %parallel_loop3A_312 = tpu.vector_load %arg7[%parallel_loop3A_310, %parallel_loop3A_311] {strides = array<i32>} : memref<2x4096xf32, #tpu.memory_space<vmem>>, vector<16xf32>,
      %parallel_loop3A_313 = arith.subf %parallel_loop3A_312, %parallel_loop3A_308 : vector<16xf32>
      %parallel_loop3A_314 = arith.mulf %parallel_loop3A_313, %parallel_loop3A_313 : vector<16xf32>
      %parallel_loop3A_315 = arith.addf %parallel_loop3A_298, %parallel_loop3A_314 : vector<16xf32>
      %parallel_loop3A_316 = arith.constant 16 : i32
      %parallel_loop3A_317 = arith.addi %parallel_loop3A_297, %parallel_loop3A_316 : i32
      %parallel_loop3A_318 = arith.constant 8192 : i32
      %parallel_loop3A_319 = arith.addi %parallel_loop3A_318, %parallel_loop3A_317 : i32
      %parallel_loop3A_320 = arith.index_cast %parallel_loop3A_319 : i32 to index
      %parallel_loop3A_321 = tpu.vector_load %arg6[%parallel_loop3A_320] {strides = array<i32>} : memref<16384xi32, #tpu.memory_space<vmem>>, vector<16xi32>,
      %parallel_loop3A_322 = tpu.vector_load_idx %arg8[%parallel_loop3A_321] : memref<100000xf32, #tpu.memory_space<vmem>>[vector<16xi32>], vector<16xf32>,
      %parallel_loop3A_323 = arith.constant 0 : i32
      %parallel_loop3A_324 = arith.index_cast %parallel_loop3A_323 : i32 to index
      %parallel_loop3A_325 = arith.index_cast %parallel_loop3A_317 : i32 to index
      %parallel_loop3A_326 = tpu.vector_load %arg7[%parallel_loop3A_324, %parallel_loop3A_325] {strides = array<i32>} : memref<2x4096xf32, #tpu.memory_space<vmem>>, vector<16xf32>,
      %parallel_loop3A_327 = arith.subf %parallel_loop3A_326, %parallel_loop3A_322 : vector<16xf32>
      %parallel_loop3A_328 = arith.mulf %parallel_loop3A_327, %parallel_loop3A_327 : vector<16xf32>
      %parallel_loop3A_329 = arith.addf %parallel_loop3A_299, %parallel_loop3A_328 : vector<16xf32>
      %parallel_loop3A_330 = arith.constant 32 : i32
      %parallel_loop3A_331 = arith.addi %parallel_loop3A_297, %parallel_loop3A_330 : i32
      %parallel_loop3A_332 = arith.constant 8192 : i32
      %parallel_loop3A_333 = arith.addi %parallel_loop3A_332, %parallel_loop3A_331 : i32
      %parallel_loop3A_334 = arith.index_cast %parallel_loop3A_333 : i32 to index
      %parallel_loop3A_335 = tpu.vector_load %arg6[%parallel_loop3A_334] {strides = array<i32>} : memref<16384xi32, #tpu.memory_space<vmem>>, vector<16xi32>,
      %parallel_loop3A_336 = tpu.vector_load_idx %arg8[%parallel_loop3A_335] : memref<100000xf32, #tpu.memory_space<vmem>>[vector<16xi32>], vector<16xf32>,
      %parallel_loop3A_337 = arith.constant 0 : i32
      %parallel_loop3A_338 = arith.index_cast %parallel_loop3A_337 : i32 to index
      %parallel_loop3A_339 = arith.index_cast %parallel_loop3A_331 : i32 to index
      %parallel_loop3A_340 = tpu.vector_load %arg7[%parallel_loop3A_338, %parallel_loop3A_339] {strides = array<i32>} : memref<2x4096xf32, #tpu.memory_space<vmem>>, vector<16xf32>,
      %parallel_loop3A_341 = arith.subf %parallel_loop3A_340, %parallel_loop3A_336 : vector<16xf32>
      %parallel_loop3A_342 = arith.mulf %parallel_loop3A_341, %parallel_loop3A_341 : vector<16xf32>
      %parallel_loop3A_343 = arith.addf %parallel_loop3A_300, %parallel_loop3A_342 : vector<16xf32>
      %parallel_loop3A_344 = arith.constant 48 : i32
      %parallel_loop3A_345 = arith.addi %parallel_loop3A_297, %parallel_loop3A_344 : i32
      %parallel_loop3A_346 = arith.constant 8192 : i32
      %parallel_loop3A_347 = arith.addi %parallel_loop3A_346, %parallel_loop3A_345 : i32
      %parallel_loop3A_348 = arith.index_cast %parallel_loop3A_347 : i32 to index
      %parallel_loop3A_349 = tpu.vector_load %arg6[%parallel_loop3A_348] {strides = array<i32>} : memref<16384xi32, #tpu.memory_space<vmem>>, vector<16xi32>,
      %parallel_loop3A_350 = tpu.vector_load_idx %arg8[%parallel_loop3A_349] : memref<100000xf32, #tpu.memory_space<vmem>>[vector<16xi32>], vector<16xf32>,
      %parallel_loop3A_351 = arith.constant 0 : i32
      %parallel_loop3A_352 = arith.index_cast %parallel_loop3A_351 : i32 to index
      %parallel_loop3A_353 = arith.index_cast %parallel_loop3A_345 : i32 to index
      %parallel_loop3A_354 = tpu.vector_load %arg7[%parallel_loop3A_352, %parallel_loop3A_353] {strides = array<i32>} : memref<2x4096xf32, #tpu.memory_space<vmem>>, vector<16xf32>,
      %parallel_loop3A_355 = arith.subf %parallel_loop3A_354, %parallel_loop3A_350 : vector<16xf32>
      %parallel_loop3A_356 = arith.mulf %parallel_loop3A_355, %parallel_loop3A_355 : vector<16xf32>
      %parallel_loop3A_357 = arith.addf %parallel_loop3A_301, %parallel_loop3A_356 : vector<16xf32>
      scf.yield %parallel_loop3A_315, %parallel_loop3A_329, %parallel_loop3A_343, %parallel_loop3A_357 : vector<16xf32>, vector<16xf32>, vector<16xf32>, vector<16xf32>
    } {sc.loop_unroll_factor = 2 : i64, sc.parallel_access}
    %dma_wait3A_130 = arith.constant 1 : i32
    %dma_wait3A_131 = arith.constant 0 : i32
    %dma_wait3A_132 = tpu.memref_slice %arg7[%dma_wait3A_130, %dma_wait3A_131] : memref<2x4096xf32, #tpu.memory_space<vmem>> -> memref<1x4096xf32, #tpu.memory_space<vmem>>
    %dma_wait3A_133 = tpu.memref_squeeze %dma_wait3A_132 : memref<1x4096xf32, #tpu.memory_space<vmem>> -> memref<4096xf32, #tpu.memory_space<vmem>>
    %dma_wait3A_134 = arith.constant 12288 : i32
    %dma_wait3A_135 = tpu.memref_slice %arg2[%add3A_112, %dma_wait3A_134] : memref<64x16384xf32, #tpu.memory_space<hbm>> -> memref<1x4096xf32, #tpu.memory_space<hbm>>
    %dma_wait3A_136 = tpu.memref_squeeze %dma_wait3A_135 : memref<1x4096xf32, #tpu.memory_space<hbm>> -> memref<4096xf32, #tpu.memory_space<hbm>>
    %dma_wait3A_137 = arith.constant 0 : i32
    %dma_wait3A_138 = tpu.memref_slice %arg7[%dma_wait3A_130, %dma_wait3A_137] : memref<2x4096xf32, #tpu.memory_space<vmem>> -> memref<1x4096xf32, #tpu.memory_space<vmem>>
    %dma_wait3A_139 = tpu.memref_squeeze %dma_wait3A_138 : memref<1x4096xf32, #tpu.memory_space<vmem>> -> memref<4096xf32, #tpu.memory_space<vmem>>
    %dma_wait3A_140 = arith.constant 12288 : i32
    %dma_wait3A_141 = tpu.memref_slice %arg2[%add3A_112, %dma_wait3A_140] : memref<64x16384xf32, #tpu.memory_space<hbm>> -> memref<1x4096xf32, #tpu.memory_space<hbm>>
    %dma_wait3A_142 = tpu.memref_squeeze %dma_wait3A_141 : memref<1x4096xf32, #tpu.memory_space<hbm>> -> memref<4096xf32, #tpu.memory_space<hbm>>
    tpu.wait_dma2 semaphore(%arg13 : memref<!tpu.dma_semaphore, #tpu.memory_space<semaphore_mem>>) src(%dma_wait3A_142 : memref<4096xf32, #tpu.memory_space<hbm>>) dst(%dma_wait3A_139 : memref<4096xf32, #tpu.memory_space<vmem>>)
    %add3A_143 = arith.constant 1 : i32
    %add3A_144 = arith.addi %mul3A_2, %add3A_143 : i32
    %dma_start3A_145 = arith.constant 0 : i32
    %dma_start3A_146 = arith.constant 0 : i32
    %dma_start3A_147 = tpu.memref_slice %arg7[%dma_start3A_145, %dma_start3A_146] : memref<2x4096xf32, #tpu.memory_space<vmem>> -> memref<1x4096xf32, #tpu.memory_space<vmem>>
    %dma_start3A_148 = tpu.memref_squeeze %dma_start3A_147 : memref<1x4096xf32, #tpu.memory_space<vmem>> -> memref<4096xf32, #tpu.memory_space<vmem>>
    %dma_start3A_149 = arith.constant 0 : i32
    %dma_start3A_150 = tpu.memref_slice %arg2[%add3A_144, %dma_start3A_149] : memref<64x16384xf32, #tpu.memory_space<hbm>> -> memref<1x4096xf32, #tpu.memory_space<hbm>>
    %dma_start3A_151 = tpu.memref_squeeze %dma_start3A_150 : memref<1x4096xf32, #tpu.memory_space<hbm>> -> memref<4096xf32, #tpu.memory_space<hbm>>
    %dma_start3A_152 = arith.constant 0 : i32
    %dma_start3A_153 = tpu.memref_slice %arg7[%dma_start3A_145, %dma_start3A_152] : memref<2x4096xf32, #tpu.memory_space<vmem>> -> memref<1x4096xf32, #tpu.memory_space<vmem>>
    %dma_start3A_154 = tpu.memref_squeeze %dma_start3A_153 : memref<1x4096xf32, #tpu.memory_space<vmem>> -> memref<4096xf32, #tpu.memory_space<vmem>>
    %dma_start3A_155 = arith.constant 0 : i32
    %dma_start3A_156 = tpu.memref_slice %arg2[%add3A_144, %dma_start3A_155] : memref<64x16384xf32, #tpu.memory_space<hbm>> -> memref<1x4096xf32, #tpu.memory_space<hbm>>
    %dma_start3A_157 = tpu.memref_squeeze %dma_start3A_156 : memref<1x4096xf32, #tpu.memory_space<hbm>> -> memref<4096xf32, #tpu.memory_space<hbm>>
    tpu.enqueue_dma source(%dma_start3A_157 : memref<4096xf32, #tpu.memory_space<hbm>>) target(%dma_start3A_154 : memref<4096xf32, #tpu.memory_space<vmem>>) target_semaphore(%arg12 : memref<!tpu.dma_semaphore, #tpu.memory_space<semaphore_mem>>)
    %parallel_loop3A_158 = arith.constant 0 : i32
    %parallel_loop3A_159 = arith.constant 4096 : i32
    %parallel_loop3A_160 = arith.constant 64 : i32
    %parallel_loop3A_161:4 = scf.for %parallel_loop3A_297 = %parallel_loop3A_158 to %parallel_loop3A_159 step %parallel_loop3A_160 iter_args(%parallel_loop3A_298 = %parallel_loop3A_129#0, %parallel_loop3A_299 = %parallel_loop3A_129#1, %parallel_loop3A_300 = %parallel_loop3A_129#2, %parallel_loop3A_301 = %parallel_loop3A_129#3) -> (vector<16xf32>, vector<16xf32>, vector<16xf32>, vector<16xf32>)  : i32 {
      %parallel_loop3A_302 = arith.constant 0 : i32
      %parallel_loop3A_303 = arith.addi %parallel_loop3A_297, %parallel_loop3A_302 : i32
      %parallel_loop3A_304 = arith.constant 12288 : i32
      %parallel_loop3A_305 = arith.addi %parallel_loop3A_304, %parallel_loop3A_303 : i32
      %parallel_loop3A_306 = arith.index_cast %parallel_loop3A_305 : i32 to index
      %parallel_loop3A_307 = tpu.vector_load %arg6[%parallel_loop3A_306] {strides = array<i32>} : memref<16384xi32, #tpu.memory_space<vmem>>, vector<16xi32>,
      %parallel_loop3A_308 = tpu.vector_load_idx %arg8[%parallel_loop3A_307] : memref<100000xf32, #tpu.memory_space<vmem>>[vector<16xi32>], vector<16xf32>,
      %parallel_loop3A_309 = arith.constant 1 : i32
      %parallel_loop3A_310 = arith.index_cast %parallel_loop3A_309 : i32 to index
      %parallel_loop3A_311 = arith.index_cast %parallel_loop3A_303 : i32 to index
      %parallel_loop3A_312 = tpu.vector_load %arg7[%parallel_loop3A_310, %parallel_loop3A_311] {strides = array<i32>} : memref<2x4096xf32, #tpu.memory_space<vmem>>, vector<16xf32>,
      %parallel_loop3A_313 = arith.subf %parallel_loop3A_312, %parallel_loop3A_308 : vector<16xf32>
      %parallel_loop3A_314 = arith.mulf %parallel_loop3A_313, %parallel_loop3A_313 : vector<16xf32>
      %parallel_loop3A_315 = arith.addf %parallel_loop3A_298, %parallel_loop3A_314 : vector<16xf32>
      %parallel_loop3A_316 = arith.constant 16 : i32
      %parallel_loop3A_317 = arith.addi %parallel_loop3A_297, %parallel_loop3A_316 : i32
      %parallel_loop3A_318 = arith.constant 12288 : i32
      %parallel_loop3A_319 = arith.addi %parallel_loop3A_318, %parallel_loop3A_317 : i32
      %parallel_loop3A_320 = arith.index_cast %parallel_loop3A_319 : i32 to index
      %parallel_loop3A_321 = tpu.vector_load %arg6[%parallel_loop3A_320] {strides = array<i32>} : memref<16384xi32, #tpu.memory_space<vmem>>, vector<16xi32>,
      %parallel_loop3A_322 = tpu.vector_load_idx %arg8[%parallel_loop3A_321] : memref<100000xf32, #tpu.memory_space<vmem>>[vector<16xi32>], vector<16xf32>,
      %parallel_loop3A_323 = arith.constant 1 : i32
      %parallel_loop3A_324 = arith.index_cast %parallel_loop3A_323 : i32 to index
      %parallel_loop3A_325 = arith.index_cast %parallel_loop3A_317 : i32 to index
      %parallel_loop3A_326 = tpu.vector_load %arg7[%parallel_loop3A_324, %parallel_loop3A_325] {strides = array<i32>} : memref<2x4096xf32, #tpu.memory_space<vmem>>, vector<16xf32>,
      %parallel_loop3A_327 = arith.subf %parallel_loop3A_326, %parallel_loop3A_322 : vector<16xf32>
      %parallel_loop3A_328 = arith.mulf %parallel_loop3A_327, %parallel_loop3A_327 : vector<16xf32>
      %parallel_loop3A_329 = arith.addf %parallel_loop3A_299, %parallel_loop3A_328 : vector<16xf32>
      %parallel_loop3A_330 = arith.constant 32 : i32
      %parallel_loop3A_331 = arith.addi %parallel_loop3A_297, %parallel_loop3A_330 : i32
      %parallel_loop3A_332 = arith.constant 12288 : i32
      %parallel_loop3A_333 = arith.addi %parallel_loop3A_332, %parallel_loop3A_331 : i32
      %parallel_loop3A_334 = arith.index_cast %parallel_loop3A_333 : i32 to index
      %parallel_loop3A_335 = tpu.vector_load %arg6[%parallel_loop3A_334] {strides = array<i32>} : memref<16384xi32, #tpu.memory_space<vmem>>, vector<16xi32>,
      %parallel_loop3A_336 = tpu.vector_load_idx %arg8[%parallel_loop3A_335] : memref<100000xf32, #tpu.memory_space<vmem>>[vector<16xi32>], vector<16xf32>,
      %parallel_loop3A_337 = arith.constant 1 : i32
      %parallel_loop3A_338 = arith.index_cast %parallel_loop3A_337 : i32 to index
      %parallel_loop3A_339 = arith.index_cast %parallel_loop3A_331 : i32 to index
      %parallel_loop3A_340 = tpu.vector_load %arg7[%parallel_loop3A_338, %parallel_loop3A_339] {strides = array<i32>} : memref<2x4096xf32, #tpu.memory_space<vmem>>, vector<16xf32>,
      %parallel_loop3A_341 = arith.subf %parallel_loop3A_340, %parallel_loop3A_336 : vector<16xf32>
      %parallel_loop3A_342 = arith.mulf %parallel_loop3A_341, %parallel_loop3A_341 : vector<16xf32>
      %parallel_loop3A_343 = arith.addf %parallel_loop3A_300, %parallel_loop3A_342 : vector<16xf32>
      %parallel_loop3A_344 = arith.constant 48 : i32
      %parallel_loop3A_345 = arith.addi %parallel_loop3A_297, %parallel_loop3A_344 : i32
      %parallel_loop3A_346 = arith.constant 12288 : i32
      %parallel_loop3A_347 = arith.addi %parallel_loop3A_346, %parallel_loop3A_345 : i32
      %parallel_loop3A_348 = arith.index_cast %parallel_loop3A_347 : i32 to index
      %parallel_loop3A_349 = tpu.vector_load %arg6[%parallel_loop3A_348] {strides = array<i32>} : memref<16384xi32, #tpu.memory_space<vmem>>, vector<16xi32>,
      %parallel_loop3A_350 = tpu.vector_load_idx %arg8[%parallel_loop3A_349] : memref<100000xf32, #tpu.memory_space<vmem>>[vector<16xi32>], vector<16xf32>,
      %parallel_loop3A_351 = arith.constant 1 : i32
      %parallel_loop3A_352 = arith.index_cast %parallel_loop3A_351 : i32 to index
      %parallel_loop3A_353 = arith.index_cast %parallel_loop3A_345 : i32 to index
      %parallel_loop3A_354 = tpu.vector_load %arg7[%parallel_loop3A_352, %parallel_loop3A_353] {strides = array<i32>} : memref<2x4096xf32, #tpu.memory_space<vmem>>, vector<16xf32>,
      %parallel_loop3A_355 = arith.subf %parallel_loop3A_354, %parallel_loop3A_350 : vector<16xf32>
      %parallel_loop3A_356 = arith.mulf %parallel_loop3A_355, %parallel_loop3A_355 : vector<16xf32>
      %parallel_loop3A_357 = arith.addf %parallel_loop3A_301, %parallel_loop3A_356 : vector<16xf32>
      scf.yield %parallel_loop3A_315, %parallel_loop3A_329, %parallel_loop3A_343, %parallel_loop3A_357 : vector<16xf32>, vector<16xf32>, vector<16xf32>, vector<16xf32>
    } {sc.loop_unroll_factor = 2 : i64, sc.parallel_access}
    %add3A_162 = arith.constant 0 : i32
    %add3A_163 = arith.addi %mul3A_2, %add3A_162 : i32
    %add3A_164 = arith.constant 1 : i32
    %add3A_165 = arith.addi %add3A_163, %add3A_164 : i32
    %dma_start3A_166 = arith.constant 0 : i32
    %dma_start3A_167 = tpu.memref_slice %arg4[%add3A_165, %dma_start3A_166] : memref<64x100000xf32, #tpu.memory_space<hbm>> -> memref<1x100000xf32, #tpu.memory_space<hbm>>
    %dma_start3A_168 = tpu.memref_squeeze %dma_start3A_167 : memref<1x100000xf32, #tpu.memory_space<hbm>> -> memref<100000xf32, #tpu.memory_space<hbm>>
    %dma_start3A_169 = arith.constant 0 : i32
    %dma_start3A_170 = tpu.memref_slice %arg4[%add3A_165, %dma_start3A_169] : memref<64x100000xf32, #tpu.memory_space<hbm>> -> memref<1x100000xf32, #tpu.memory_space<hbm>>
    %dma_start3A_171 = tpu.memref_squeeze %dma_start3A_170 : memref<1x100000xf32, #tpu.memory_space<hbm>> -> memref<100000xf32, #tpu.memory_space<hbm>>
    tpu.enqueue_dma source(%dma_start3A_171 : memref<100000xf32, #tpu.memory_space<hbm>>) target(%arg8 : memref<100000xf32, #tpu.memory_space<vmem>>) target_semaphore(%arg11 : memref<!tpu.dma_semaphore, #tpu.memory_space<semaphore_mem>>)
    %add3A_172 = arith.constant 1 : i32
    %add3A_173 = arith.addi %mul3A_2, %add3A_172 : i32
    %dma_wait3A_174 = arith.constant 0 : i32
    %dma_wait3A_175 = arith.constant 0 : i32
    %dma_wait3A_176 = tpu.memref_slice %arg7[%dma_wait3A_174, %dma_wait3A_175] : memref<2x4096xf32, #tpu.memory_space<vmem>> -> memref<1x4096xf32, #tpu.memory_space<vmem>>
    %dma_wait3A_177 = tpu.memref_squeeze %dma_wait3A_176 : memref<1x4096xf32, #tpu.memory_space<vmem>> -> memref<4096xf32, #tpu.memory_space<vmem>>
    %dma_wait3A_178 = arith.constant 0 : i32
    %dma_wait3A_179 = tpu.memref_slice %arg2[%add3A_144, %dma_wait3A_178] : memref<64x16384xf32, #tpu.memory_space<hbm>> -> memref<1x4096xf32, #tpu.memory_space<hbm>>
    %dma_wait3A_180 = tpu.memref_squeeze %dma_wait3A_179 : memref<1x4096xf32, #tpu.memory_space<hbm>> -> memref<4096xf32, #tpu.memory_space<hbm>>
    %dma_wait3A_181 = arith.constant 0 : i32
    %dma_wait3A_182 = tpu.memref_slice %arg7[%dma_wait3A_174, %dma_wait3A_181] : memref<2x4096xf32, #tpu.memory_space<vmem>> -> memref<1x4096xf32, #tpu.memory_space<vmem>>
    %dma_wait3A_183 = tpu.memref_squeeze %dma_wait3A_182 : memref<1x4096xf32, #tpu.memory_space<vmem>> -> memref<4096xf32, #tpu.memory_space<vmem>>
    %dma_wait3A_184 = arith.constant 0 : i32
    %dma_wait3A_185 = tpu.memref_slice %arg2[%add3A_144, %dma_wait3A_184] : memref<64x16384xf32, #tpu.memory_space<hbm>> -> memref<1x4096xf32, #tpu.memory_space<hbm>>
    %dma_wait3A_186 = tpu.memref_squeeze %dma_wait3A_185 : memref<1x4096xf32, #tpu.memory_space<hbm>> -> memref<4096xf32, #tpu.memory_space<hbm>>
    tpu.wait_dma2 semaphore(%arg12 : memref<!tpu.dma_semaphore, #tpu.memory_space<semaphore_mem>>) src(%dma_wait3A_186 : memref<4096xf32, #tpu.memory_space<hbm>>) dst(%dma_wait3A_183 : memref<4096xf32, #tpu.memory_space<vmem>>)
    %add3A_187 = arith.constant 1 : i32
    %add3A_188 = arith.addi %mul3A_2, %add3A_187 : i32
    %dma_start3A_189 = arith.constant 1 : i32
    %dma_start3A_190 = arith.constant 0 : i32
    %dma_start3A_191 = tpu.memref_slice %arg7[%dma_start3A_189, %dma_start3A_190] : memref<2x4096xf32, #tpu.memory_space<vmem>> -> memref<1x4096xf32, #tpu.memory_space<vmem>>
    %dma_start3A_192 = tpu.memref_squeeze %dma_start3A_191 : memref<1x4096xf32, #tpu.memory_space<vmem>> -> memref<4096xf32, #tpu.memory_space<vmem>>
    %dma_start3A_193 = arith.constant 4096 : i32
    %dma_start3A_194 = tpu.memref_slice %arg2[%add3A_188, %dma_start3A_193] : memref<64x16384xf32, #tpu.memory_space<hbm>> -> memref<1x4096xf32, #tpu.memory_space<hbm>>
    %dma_start3A_195 = tpu.memref_squeeze %dma_start3A_194 : memref<1x4096xf32, #tpu.memory_space<hbm>> -> memref<4096xf32, #tpu.memory_space<hbm>>
    %dma_start3A_196 = arith.constant 0 : i32
    %dma_start3A_197 = tpu.memref_slice %arg7[%dma_start3A_189, %dma_start3A_196] : memref<2x4096xf32, #tpu.memory_space<vmem>> -> memref<1x4096xf32, #tpu.memory_space<vmem>>
    %dma_start3A_198 = tpu.memref_squeeze %dma_start3A_197 : memref<1x4096xf32, #tpu.memory_space<vmem>> -> memref<4096xf32, #tpu.memory_space<vmem>>
    %dma_start3A_199 = arith.constant 4096 : i32
    %dma_start3A_200 = tpu.memref_slice %arg2[%add3A_188, %dma_start3A_199] : memref<64x16384xf32, #tpu.memory_space<hbm>> -> memref<1x4096xf32, #tpu.memory_space<hbm>>
    %dma_start3A_201 = tpu.memref_squeeze %dma_start3A_200 : memref<1x4096xf32, #tpu.memory_space<hbm>> -> memref<4096xf32, #tpu.memory_space<hbm>>
    tpu.enqueue_dma source(%dma_start3A_201 : memref<4096xf32, #tpu.memory_space<hbm>>) target(%dma_start3A_198 : memref<4096xf32, #tpu.memory_space<vmem>>) target_semaphore(%arg13 : memref<!tpu.dma_semaphore, #tpu.memory_space<semaphore_mem>>)
    %dma_wait3A_202 = arith.constant 0 : i32
    %dma_wait3A_203 = tpu.memref_slice %arg4[%add3A_165, %dma_wait3A_202] : memref<64x100000xf32, #tpu.memory_space<hbm>> -> memref<1x100000xf32, #tpu.memory_space<hbm>>
    %dma_wait3A_204 = tpu.memref_squeeze %dma_wait3A_203 : memref<1x100000xf32, #tpu.memory_space<hbm>> -> memref<100000xf32, #tpu.memory_space<hbm>>
    %dma_wait3A_205 = arith.constant 0 : i32
    %dma_wait3A_206 = tpu.memref_slice %arg4[%add3A_165, %dma_wait3A_205] : memref<64x100000xf32, #tpu.memory_space<hbm>> -> memref<1x100000xf32, #tpu.memory_space<hbm>>
    %dma_wait3A_207 = tpu.memref_squeeze %dma_wait3A_206 : memref<1x100000xf32, #tpu.memory_space<hbm>> -> memref<100000xf32, #tpu.memory_space<hbm>>
    tpu.wait_dma2 semaphore(%arg11 : memref<!tpu.dma_semaphore, #tpu.memory_space<semaphore_mem>>) src(%dma_wait3A_207 : memref<100000xf32, #tpu.memory_space<hbm>>) dst(%arg8 : memref<100000xf32, #tpu.memory_space<vmem>>)
    %parallel_loop3A_208 = arith.constant 0 : i32
    %parallel_loop3A_209 = arith.constant 4096 : i32
    %parallel_loop3A_210 = arith.constant 64 : i32
    %parallel_loop3A_211:4 = scf.for %parallel_loop3A_297 = %parallel_loop3A_208 to %parallel_loop3A_209 step %parallel_loop3A_210 iter_args(%parallel_loop3A_298 = %parallel_loop3A_161#0, %parallel_loop3A_299 = %parallel_loop3A_161#1, %parallel_loop3A_300 = %parallel_loop3A_161#2, %parallel_loop3A_301 = %parallel_loop3A_161#3) -> (vector<16xf32>, vector<16xf32>, vector<16xf32>, vector<16xf32>)  : i32 {
      %parallel_loop3A_302 = arith.constant 0 : i32
      %parallel_loop3A_303 = arith.addi %parallel_loop3A_297, %parallel_loop3A_302 : i32
      %parallel_loop3A_304 = arith.constant 0 : i32
      %parallel_loop3A_305 = arith.addi %parallel_loop3A_304, %parallel_loop3A_303 : i32
      %parallel_loop3A_306 = arith.index_cast %parallel_loop3A_305 : i32 to index
      %parallel_loop3A_307 = tpu.vector_load %arg6[%parallel_loop3A_306] {strides = array<i32>} : memref<16384xi32, #tpu.memory_space<vmem>>, vector<16xi32>,
      %parallel_loop3A_308 = tpu.vector_load_idx %arg8[%parallel_loop3A_307] : memref<100000xf32, #tpu.memory_space<vmem>>[vector<16xi32>], vector<16xf32>,
      %parallel_loop3A_309 = arith.constant 0 : i32
      %parallel_loop3A_310 = arith.index_cast %parallel_loop3A_309 : i32 to index
      %parallel_loop3A_311 = arith.index_cast %parallel_loop3A_303 : i32 to index
      %parallel_loop3A_312 = tpu.vector_load %arg7[%parallel_loop3A_310, %parallel_loop3A_311] {strides = array<i32>} : memref<2x4096xf32, #tpu.memory_space<vmem>>, vector<16xf32>,
      %parallel_loop3A_313 = arith.subf %parallel_loop3A_312, %parallel_loop3A_308 : vector<16xf32>
      %parallel_loop3A_314 = arith.mulf %parallel_loop3A_313, %parallel_loop3A_313 : vector<16xf32>
      %parallel_loop3A_315 = arith.addf %parallel_loop3A_298, %parallel_loop3A_314 : vector<16xf32>
      %parallel_loop3A_316 = arith.constant 16 : i32
      %parallel_loop3A_317 = arith.addi %parallel_loop3A_297, %parallel_loop3A_316 : i32
      %parallel_loop3A_318 = arith.constant 0 : i32
      %parallel_loop3A_319 = arith.addi %parallel_loop3A_318, %parallel_loop3A_317 : i32
      %parallel_loop3A_320 = arith.index_cast %parallel_loop3A_319 : i32 to index
      %parallel_loop3A_321 = tpu.vector_load %arg6[%parallel_loop3A_320] {strides = array<i32>} : memref<16384xi32, #tpu.memory_space<vmem>>, vector<16xi32>,
      %parallel_loop3A_322 = tpu.vector_load_idx %arg8[%parallel_loop3A_321] : memref<100000xf32, #tpu.memory_space<vmem>>[vector<16xi32>], vector<16xf32>,
      %parallel_loop3A_323 = arith.constant 0 : i32
      %parallel_loop3A_324 = arith.index_cast %parallel_loop3A_323 : i32 to index
      %parallel_loop3A_325 = arith.index_cast %parallel_loop3A_317 : i32 to index
      %parallel_loop3A_326 = tpu.vector_load %arg7[%parallel_loop3A_324, %parallel_loop3A_325] {strides = array<i32>} : memref<2x4096xf32, #tpu.memory_space<vmem>>, vector<16xf32>,
      %parallel_loop3A_327 = arith.subf %parallel_loop3A_326, %parallel_loop3A_322 : vector<16xf32>
      %parallel_loop3A_328 = arith.mulf %parallel_loop3A_327, %parallel_loop3A_327 : vector<16xf32>
      %parallel_loop3A_329 = arith.addf %parallel_loop3A_299, %parallel_loop3A_328 : vector<16xf32>
      %parallel_loop3A_330 = arith.constant 32 : i32
      %parallel_loop3A_331 = arith.addi %parallel_loop3A_297, %parallel_loop3A_330 : i32
      %parallel_loop3A_332 = arith.constant 0 : i32
      %parallel_loop3A_333 = arith.addi %parallel_loop3A_332, %parallel_loop3A_331 : i32
      %parallel_loop3A_334 = arith.index_cast %parallel_loop3A_333 : i32 to index
      %parallel_loop3A_335 = tpu.vector_load %arg6[%parallel_loop3A_334] {strides = array<i32>} : memref<16384xi32, #tpu.memory_space<vmem>>, vector<16xi32>,
      %parallel_loop3A_336 = tpu.vector_load_idx %arg8[%parallel_loop3A_335] : memref<100000xf32, #tpu.memory_space<vmem>>[vector<16xi32>], vector<16xf32>,
      %parallel_loop3A_337 = arith.constant 0 : i32
      %parallel_loop3A_338 = arith.index_cast %parallel_loop3A_337 : i32 to index
      %parallel_loop3A_339 = arith.index_cast %parallel_loop3A_331 : i32 to index
      %parallel_loop3A_340 = tpu.vector_load %arg7[%parallel_loop3A_338, %parallel_loop3A_339] {strides = array<i32>} : memref<2x4096xf32, #tpu.memory_space<vmem>>, vector<16xf32>,
      %parallel_loop3A_341 = arith.subf %parallel_loop3A_340, %parallel_loop3A_336 : vector<16xf32>
      %parallel_loop3A_342 = arith.mulf %parallel_loop3A_341, %parallel_loop3A_341 : vector<16xf32>
      %parallel_loop3A_343 = arith.addf %parallel_loop3A_300, %parallel_loop3A_342 : vector<16xf32>
      %parallel_loop3A_344 = arith.constant 48 : i32
      %parallel_loop3A_345 = arith.addi %parallel_loop3A_297, %parallel_loop3A_344 : i32
      %parallel_loop3A_346 = arith.constant 0 : i32
      %parallel_loop3A_347 = arith.addi %parallel_loop3A_346, %parallel_loop3A_345 : i32
      %parallel_loop3A_348 = arith.index_cast %parallel_loop3A_347 : i32 to index
      %parallel_loop3A_349 = tpu.vector_load %arg6[%parallel_loop3A_348] {strides = array<i32>} : memref<16384xi32, #tpu.memory_space<vmem>>, vector<16xi32>,
      %parallel_loop3A_350 = tpu.vector_load_idx %arg8[%parallel_loop3A_349] : memref<100000xf32, #tpu.memory_space<vmem>>[vector<16xi32>], vector<16xf32>,
      %parallel_loop3A_351 = arith.constant 0 : i32
      %parallel_loop3A_352 = arith.index_cast %parallel_loop3A_351 : i32 to index
      %parallel_loop3A_353 = arith.index_cast %parallel_loop3A_345 : i32 to index
      %parallel_loop3A_354 = tpu.vector_load %arg7[%parallel_loop3A_352, %parallel_loop3A_353] {strides = array<i32>} : memref<2x4096xf32, #tpu.memory_space<vmem>>, vector<16xf32>,
      %parallel_loop3A_355 = arith.subf %parallel_loop3A_354, %parallel_loop3A_350 : vector<16xf32>
      %parallel_loop3A_356 = arith.mulf %parallel_loop3A_355, %parallel_loop3A_355 : vector<16xf32>
      %parallel_loop3A_357 = arith.addf %parallel_loop3A_301, %parallel_loop3A_356 : vector<16xf32>
      scf.yield %parallel_loop3A_315, %parallel_loop3A_329, %parallel_loop3A_343, %parallel_loop3A_357 : vector<16xf32>, vector<16xf32>, vector<16xf32>, vector<16xf32>
    } {sc.loop_unroll_factor = 2 : i64, sc.parallel_access}
    %dma_wait3A_212 = arith.constant 1 : i32
    %dma_wait3A_213 = arith.constant 0 : i32
    %dma_wait3A_214 = tpu.memref_slice %arg7[%dma_wait3A_212, %dma_wait3A_213] : memref<2x4096xf32, #tpu.memory_space<vmem>> -> memref<1x4096xf32, #tpu.memory_space<vmem>>
    %dma_wait3A_215 = tpu.memref_squeeze %dma_wait3A_214 : memref<1x4096xf32, #tpu.memory_space<vmem>> -> memref<4096xf32, #tpu.memory_space<vmem>>
    %dma_wait3A_216 = arith.constant 4096 : i32
    %dma_wait3A_217 = tpu.memref_slice %arg2[%add3A_188, %dma_wait3A_216] : memref<64x16384xf32, #tpu.memory_space<hbm>> -> memref<1x4096xf32, #tpu.memory_space<hbm>>
    %dma_wait3A_218 = tpu.memref_squeeze %dma_wait3A_217 : memref<1x4096xf32, #tpu.memory_space<hbm>> -> memref<4096xf32, #tpu.memory_space<hbm>>
    %dma_wait3A_219 = arith.constant 0 : i32
    %dma_wait3A_220 = tpu.memref_slice %arg7[%dma_wait3A_212, %dma_wait3A_219] : memref<2x4096xf32, #tpu.memory_space<vmem>> -> memref<1x4096xf32, #tpu.memory_space<vmem>>
    %dma_wait3A_221 = tpu.memref_squeeze %dma_wait3A_220 : memref<1x4096xf32, #tpu.memory_space<vmem>> -> memref<4096xf32, #tpu.memory_space<vmem>>
    %dma_wait3A_222 = arith.constant 4096 : i32
    %dma_wait3A_223 = tpu.memref_slice %arg2[%add3A_188, %dma_wait3A_222] : memref<64x16384xf32, #tpu.memory_space<hbm>> -> memref<1x4096xf32, #tpu.memory_space<hbm>>
    %dma_wait3A_224 = tpu.memref_squeeze %dma_wait3A_223 : memref<1x4096xf32, #tpu.memory_space<hbm>> -> memref<4096xf32, #tpu.memory_space<hbm>>
    tpu.wait_dma2 semaphore(%arg13 : memref<!tpu.dma_semaphore, #tpu.memory_space<semaphore_mem>>) src(%dma_wait3A_224 : memref<4096xf32, #tpu.memory_space<hbm>>) dst(%dma_wait3A_221 : memref<4096xf32, #tpu.memory_space<vmem>>)
    %add3A_225 = arith.constant 1 : i32
    %add3A_226 = arith.addi %mul3A_2, %add3A_225 : i32
    %dma_start3A_227 = arith.constant 0 : i32
    %dma_start3A_228 = arith.constant 0 : i32
    %dma_start3A_229 = tpu.memref_slice %arg7[%dma_start3A_227, %dma_start3A_228] : memref<2x4096xf32, #tpu.memory_space<vmem>> -> memref<1x4096xf32, #tpu.memory_space<vmem>>
    %dma_start3A_230 = tpu.memref_squeeze %dma_start3A_229 : memref<1x4096xf32, #tpu.memory_space<vmem>> -> memref<4096xf32, #tpu.memory_space<vmem>>
    %dma_start3A_231 = arith.constant 8192 : i32
    %dma_start3A_232 = tpu.memref_slice %arg2[%add3A_226, %dma_start3A_231] : memref<64x16384xf32, #tpu.memory_space<hbm>> -> memref<1x4096xf32, #tpu.memory_space<hbm>>
    %dma_start3A_233 = tpu.memref_squeeze %dma_start3A_232 : memref<1x4096xf32, #tpu.memory_space<hbm>> -> memref<4096xf32, #tpu.memory_space<hbm>>
    %dma_start3A_234 = arith.constant 0 : i32
    %dma_start3A_235 = tpu.memref_slice %arg7[%dma_start3A_227, %dma_start3A_234] : memref<2x4096xf32, #tpu.memory_space<vmem>> -> memref<1x4096xf32, #tpu.memory_space<vmem>>
    %dma_start3A_236 = tpu.memref_squeeze %dma_start3A_235 : memref<1x4096xf32, #tpu.memory_space<vmem>> -> memref<4096xf32, #tpu.memory_space<vmem>>
    %dma_start3A_237 = arith.constant 8192 : i32
    %dma_start3A_238 = tpu.memref_slice %arg2[%add3A_226, %dma_start3A_237] : memref<64x16384xf32, #tpu.memory_space<hbm>> -> memref<1x4096xf32, #tpu.memory_space<hbm>>
    %dma_start3A_239 = tpu.memref_squeeze %dma_start3A_238 : memref<1x4096xf32, #tpu.memory_space<hbm>> -> memref<4096xf32, #tpu.memory_space<hbm>>
    tpu.enqueue_dma source(%dma_start3A_239 : memref<4096xf32, #tpu.memory_space<hbm>>) target(%dma_start3A_236 : memref<4096xf32, #tpu.memory_space<vmem>>) target_semaphore(%arg12 : memref<!tpu.dma_semaphore, #tpu.memory_space<semaphore_mem>>)
    %parallel_loop3A_240 = arith.constant 0 : i32
    %parallel_loop3A_241 = arith.constant 4096 : i32
    %parallel_loop3A_242 = arith.constant 64 : i32
    %parallel_loop3A_243:4 = scf.for %parallel_loop3A_297 = %parallel_loop3A_240 to %parallel_loop3A_241 step %parallel_loop3A_242 iter_args(%parallel_loop3A_298 = %parallel_loop3A_211#0, %parallel_loop3A_299 = %parallel_loop3A_211#1, %parallel_loop3A_300 = %parallel_loop3A_211#2, %parallel_loop3A_301 = %parallel_loop3A_211#3) -> (vector<16xf32>, vector<16xf32>, vector<16xf32>, vector<16xf32>)  : i32 {
      %parallel_loop3A_302 = arith.constant 0 : i32
      %parallel_loop3A_303 = arith.addi %parallel_loop3A_297, %parallel_loop3A_302 : i32
      %parallel_loop3A_304 = arith.constant 4096 : i32
      %parallel_loop3A_305 = arith.addi %parallel_loop3A_304, %parallel_loop3A_303 : i32
      %parallel_loop3A_306 = arith.index_cast %parallel_loop3A_305 : i32 to index
      %parallel_loop3A_307 = tpu.vector_load %arg6[%parallel_loop3A_306] {strides = array<i32>} : memref<16384xi32, #tpu.memory_space<vmem>>, vector<16xi32>,
      %parallel_loop3A_308 = tpu.vector_load_idx %arg8[%parallel_loop3A_307] : memref<100000xf32, #tpu.memory_space<vmem>>[vector<16xi32>], vector<16xf32>,
      %parallel_loop3A_309 = arith.constant 1 : i32
      %parallel_loop3A_310 = arith.index_cast %parallel_loop3A_309 : i32 to index
      %parallel_loop3A_311 = arith.index_cast %parallel_loop3A_303 : i32 to index
      %parallel_loop3A_312 = tpu.vector_load %arg7[%parallel_loop3A_310, %parallel_loop3A_311] {strides = array<i32>} : memref<2x4096xf32, #tpu.memory_space<vmem>>, vector<16xf32>,
      %parallel_loop3A_313 = arith.subf %parallel_loop3A_312, %parallel_loop3A_308 : vector<16xf32>
      %parallel_loop3A_314 = arith.mulf %parallel_loop3A_313, %parallel_loop3A_313 : vector<16xf32>
      %parallel_loop3A_315 = arith.addf %parallel_loop3A_298, %parallel_loop3A_314 : vector<16xf32>
      %parallel_loop3A_316 = arith.constant 16 : i32
      %parallel_loop3A_317 = arith.addi %parallel_loop3A_297, %parallel_loop3A_316 : i32
      %parallel_loop3A_318 = arith.constant 4096 : i32
      %parallel_loop3A_319 = arith.addi %parallel_loop3A_318, %parallel_loop3A_317 : i32
      %parallel_loop3A_320 = arith.index_cast %parallel_loop3A_319 : i32 to index
      %parallel_loop3A_321 = tpu.vector_load %arg6[%parallel_loop3A_320] {strides = array<i32>} : memref<16384xi32, #tpu.memory_space<vmem>>, vector<16xi32>,
      %parallel_loop3A_322 = tpu.vector_load_idx %arg8[%parallel_loop3A_321] : memref<100000xf32, #tpu.memory_space<vmem>>[vector<16xi32>], vector<16xf32>,
      %parallel_loop3A_323 = arith.constant 1 : i32
      %parallel_loop3A_324 = arith.index_cast %parallel_loop3A_323 : i32 to index
      %parallel_loop3A_325 = arith.index_cast %parallel_loop3A_317 : i32 to index
      %parallel_loop3A_326 = tpu.vector_load %arg7[%parallel_loop3A_324, %parallel_loop3A_325] {strides = array<i32>} : memref<2x4096xf32, #tpu.memory_space<vmem>>, vector<16xf32>,
      %parallel_loop3A_327 = arith.subf %parallel_loop3A_326, %parallel_loop3A_322 : vector<16xf32>
      %parallel_loop3A_328 = arith.mulf %parallel_loop3A_327, %parallel_loop3A_327 : vector<16xf32>
      %parallel_loop3A_329 = arith.addf %parallel_loop3A_299, %parallel_loop3A_328 : vector<16xf32>
      %parallel_loop3A_330 = arith.constant 32 : i32
      %parallel_loop3A_331 = arith.addi %parallel_loop3A_297, %parallel_loop3A_330 : i32
      %parallel_loop3A_332 = arith.constant 4096 : i32
      %parallel_loop3A_333 = arith.addi %parallel_loop3A_332, %parallel_loop3A_331 : i32
      %parallel_loop3A_334 = arith.index_cast %parallel_loop3A_333 : i32 to index
      %parallel_loop3A_335 = tpu.vector_load %arg6[%parallel_loop3A_334] {strides = array<i32>} : memref<16384xi32, #tpu.memory_space<vmem>>, vector<16xi32>,
      %parallel_loop3A_336 = tpu.vector_load_idx %arg8[%parallel_loop3A_335] : memref<100000xf32, #tpu.memory_space<vmem>>[vector<16xi32>], vector<16xf32>,
      %parallel_loop3A_337 = arith.constant 1 : i32
      %parallel_loop3A_338 = arith.index_cast %parallel_loop3A_337 : i32 to index
      %parallel_loop3A_339 = arith.index_cast %parallel_loop3A_331 : i32 to index
      %parallel_loop3A_340 = tpu.vector_load %arg7[%parallel_loop3A_338, %parallel_loop3A_339] {strides = array<i32>} : memref<2x4096xf32, #tpu.memory_space<vmem>>, vector<16xf32>,
      %parallel_loop3A_341 = arith.subf %parallel_loop3A_340, %parallel_loop3A_336 : vector<16xf32>
      %parallel_loop3A_342 = arith.mulf %parallel_loop3A_341, %parallel_loop3A_341 : vector<16xf32>
      %parallel_loop3A_343 = arith.addf %parallel_loop3A_300, %parallel_loop3A_342 : vector<16xf32>
      %parallel_loop3A_344 = arith.constant 48 : i32
      %parallel_loop3A_345 = arith.addi %parallel_loop3A_297, %parallel_loop3A_344 : i32
      %parallel_loop3A_346 = arith.constant 4096 : i32
      %parallel_loop3A_347 = arith.addi %parallel_loop3A_346, %parallel_loop3A_345 : i32
      %parallel_loop3A_348 = arith.index_cast %parallel_loop3A_347 : i32 to index
      %parallel_loop3A_349 = tpu.vector_load %arg6[%parallel_loop3A_348] {strides = array<i32>} : memref<16384xi32, #tpu.memory_space<vmem>>, vector<16xi32>,
      %parallel_loop3A_350 = tpu.vector_load_idx %arg8[%parallel_loop3A_349] : memref<100000xf32, #tpu.memory_space<vmem>>[vector<16xi32>], vector<16xf32>,
      %parallel_loop3A_351 = arith.constant 1 : i32
      %parallel_loop3A_352 = arith.index_cast %parallel_loop3A_351 : i32 to index
      %parallel_loop3A_353 = arith.index_cast %parallel_loop3A_345 : i32 to index
      %parallel_loop3A_354 = tpu.vector_load %arg7[%parallel_loop3A_352, %parallel_loop3A_353] {strides = array<i32>} : memref<2x4096xf32, #tpu.memory_space<vmem>>, vector<16xf32>,
      %parallel_loop3A_355 = arith.subf %parallel_loop3A_354, %parallel_loop3A_350 : vector<16xf32>
      %parallel_loop3A_356 = arith.mulf %parallel_loop3A_355, %parallel_loop3A_355 : vector<16xf32>
      %parallel_loop3A_357 = arith.addf %parallel_loop3A_301, %parallel_loop3A_356 : vector<16xf32>
      scf.yield %parallel_loop3A_315, %parallel_loop3A_329, %parallel_loop3A_343, %parallel_loop3A_357 : vector<16xf32>, vector<16xf32>, vector<16xf32>, vector<16xf32>
    } {sc.loop_unroll_factor = 2 : i64, sc.parallel_access}
    %dma_wait3A_244 = arith.constant 0 : i32
    %dma_wait3A_245 = arith.constant 0 : i32
    %dma_wait3A_246 = tpu.memref_slice %arg7[%dma_wait3A_244, %dma_wait3A_245] : memref<2x4096xf32, #tpu.memory_space<vmem>> -> memref<1x4096xf32, #tpu.memory_space<vmem>>
    %dma_wait3A_247 = tpu.memref_squeeze %dma_wait3A_246 : memref<1x4096xf32, #tpu.memory_space<vmem>> -> memref<4096xf32, #tpu.memory_space<vmem>>
    %dma_wait3A_248 = arith.constant 8192 : i32
    %dma_wait3A_249 = tpu.memref_slice %arg2[%add3A_226, %dma_wait3A_248] : memref<64x16384xf32, #tpu.memory_space<hbm>> -> memref<1x4096xf32, #tpu.memory_space<hbm>>
    %dma_wait3A_250 = tpu.memref_squeeze %dma_wait3A_249 : memref<1x4096xf32, #tpu.memory_space<hbm>> -> memref<4096xf32, #tpu.memory_space<hbm>>
    %dma_wait3A_251 = arith.constant 0 : i32
    %dma_wait3A_252 = tpu.memref_slice %arg7[%dma_wait3A_244, %dma_wait3A_251] : memref<2x4096xf32, #tpu.memory_space<vmem>> -> memref<1x4096xf32, #tpu.memory_space<vmem>>
    %dma_wait3A_253 = tpu.memref_squeeze %dma_wait3A_252 : memref<1x4096xf32, #tpu.memory_space<vmem>> -> memref<4096xf32, #tpu.memory_space<vmem>>
    %dma_wait3A_254 = arith.constant 8192 : i32
    %dma_wait3A_255 = tpu.memref_slice %arg2[%add3A_226, %dma_wait3A_254] : memref<64x16384xf32, #tpu.memory_space<hbm>> -> memref<1x4096xf32, #tpu.memory_space<hbm>>
    %dma_wait3A_256 = tpu.memref_squeeze %dma_wait3A_255 : memref<1x4096xf32, #tpu.memory_space<hbm>> -> memref<4096xf32, #tpu.memory_space<hbm>>
    tpu.wait_dma2 semaphore(%arg12 : memref<!tpu.dma_semaphore, #tpu.memory_space<semaphore_mem>>) src(%dma_wait3A_256 : memref<4096xf32, #tpu.memory_space<hbm>>) dst(%dma_wait3A_253 : memref<4096xf32, #tpu.memory_space<vmem>>)
    %add3A_257 = arith.constant 1 : i32
    %add3A_258 = arith.addi %mul3A_2, %add3A_257 : i32
    %dma_start3A_259 = arith.constant 1 : i32
    %dma_start3A_260 = arith.constant 0 : i32
    %dma_start3A_261 = tpu.memref_slice %arg7[%dma_start3A_259, %dma_start3A_260] : memref<2x4096xf32, #tpu.memory_space<vmem>> -> memref<1x4096xf32, #tpu.memory_space<vmem>>
    %dma_start3A_262 = tpu.memref_squeeze %dma_start3A_261 : memref<1x4096xf32, #tpu.memory_space<vmem>> -> memref<4096xf32, #tpu.memory_space<vmem>>
    %dma_start3A_263 = arith.constant 12288 : i32
    %dma_start3A_264 = tpu.memref_slice %arg2[%add3A_258, %dma_start3A_263] : memref<64x16384xf32, #tpu.memory_space<hbm>> -> memref<1x4096xf32, #tpu.memory_space<hbm>>
    %dma_start3A_265 = tpu.memref_squeeze %dma_start3A_264 : memref<1x4096xf32, #tpu.memory_space<hbm>> -> memref<4096xf32, #tpu.memory_space<hbm>>
    %dma_start3A_266 = arith.constant 0 : i32
    %dma_start3A_267 = tpu.memref_slice %arg7[%dma_start3A_259, %dma_start3A_266] : memref<2x4096xf32, #tpu.memory_space<vmem>> -> memref<1x4096xf32, #tpu.memory_space<vmem>>
    %dma_start3A_268 = tpu.memref_squeeze %dma_start3A_267 : memref<1x4096xf32, #tpu.memory_space<vmem>> -> memref<4096xf32, #tpu.memory_space<vmem>>
    %dma_start3A_269 = arith.constant 12288 : i32
    %dma_start3A_270 = tpu.memref_slice %arg2[%add3A_258, %dma_start3A_269] : memref<64x16384xf32, #tpu.memory_space<hbm>> -> memref<1x4096xf32, #tpu.memory_space<hbm>>
    %dma_start3A_271 = tpu.memref_squeeze %dma_start3A_270 : memref<1x4096xf32, #tpu.memory_space<hbm>> -> memref<4096xf32, #tpu.memory_space<hbm>>
    tpu.enqueue_dma source(%dma_start3A_271 : memref<4096xf32, #tpu.memory_space<hbm>>) target(%dma_start3A_268 : memref<4096xf32, #tpu.memory_space<vmem>>) target_semaphore(%arg13 : memref<!tpu.dma_semaphore, #tpu.memory_space<semaphore_mem>>)
    %parallel_loop3A_272 = arith.constant 0 : i32
    %parallel_loop3A_273 = arith.constant 4096 : i32
    %parallel_loop3A_274 = arith.constant 64 : i32
    %parallel_loop3A_275:4 = scf.for %parallel_loop3A_297 = %parallel_loop3A_272 to %parallel_loop3A_273 step %parallel_loop3A_274 iter_args(%parallel_loop3A_298 = %parallel_loop3A_243#0, %parallel_loop3A_299 = %parallel_loop3A_243#1, %parallel_loop3A_300 = %parallel_loop3A_243#2, %parallel_loop3A_301 = %parallel_loop3A_243#3) -> (vector<16xf32>, vector<16xf32>, vector<16xf32>, vector<16xf32>)  : i32 {
      %parallel_loop3A_302 = arith.constant 0 : i32
      %parallel_loop3A_303 = arith.addi %parallel_loop3A_297, %parallel_loop3A_302 : i32
      %parallel_loop3A_304 = arith.constant 8192 : i32
      %parallel_loop3A_305 = arith.addi %parallel_loop3A_304, %parallel_loop3A_303 : i32
      %parallel_loop3A_306 = arith.index_cast %parallel_loop3A_305 : i32 to index
      %parallel_loop3A_307 = tpu.vector_load %arg6[%parallel_loop3A_306] {strides = array<i32>} : memref<16384xi32, #tpu.memory_space<vmem>>, vector<16xi32>,
      %parallel_loop3A_308 = tpu.vector_load_idx %arg8[%parallel_loop3A_307] : memref<100000xf32, #tpu.memory_space<vmem>>[vector<16xi32>], vector<16xf32>,
      %parallel_loop3A_309 = arith.constant 0 : i32
      %parallel_loop3A_310 = arith.index_cast %parallel_loop3A_309 : i32 to index
      %parallel_loop3A_311 = arith.index_cast %parallel_loop3A_303 : i32 to index
      %parallel_loop3A_312 = tpu.vector_load %arg7[%parallel_loop3A_310, %parallel_loop3A_311] {strides = array<i32>} : memref<2x4096xf32, #tpu.memory_space<vmem>>, vector<16xf32>,
      %parallel_loop3A_313 = arith.subf %parallel_loop3A_312, %parallel_loop3A_308 : vector<16xf32>
      %parallel_loop3A_314 = arith.mulf %parallel_loop3A_313, %parallel_loop3A_313 : vector<16xf32>
      %parallel_loop3A_315 = arith.addf %parallel_loop3A_298, %parallel_loop3A_314 : vector<16xf32>
      %parallel_loop3A_316 = arith.constant 16 : i32
      %parallel_loop3A_317 = arith.addi %parallel_loop3A_297, %parallel_loop3A_316 : i32
      %parallel_loop3A_318 = arith.constant 8192 : i32
      %parallel_loop3A_319 = arith.addi %parallel_loop3A_318, %parallel_loop3A_317 : i32
      %parallel_loop3A_320 = arith.index_cast %parallel_loop3A_319 : i32 to index
      %parallel_loop3A_321 = tpu.vector_load %arg6[%parallel_loop3A_320] {strides = array<i32>} : memref<16384xi32, #tpu.memory_space<vmem>>, vector<16xi32>,
      %parallel_loop3A_322 = tpu.vector_load_idx %arg8[%parallel_loop3A_321] : memref<100000xf32, #tpu.memory_space<vmem>>[vector<16xi32>], vector<16xf32>,
      %parallel_loop3A_323 = arith.constant 0 : i32
      %parallel_loop3A_324 = arith.index_cast %parallel_loop3A_323 : i32 to index
      %parallel_loop3A_325 = arith.index_cast %parallel_loop3A_317 : i32 to index
      %parallel_loop3A_326 = tpu.vector_load %arg7[%parallel_loop3A_324, %parallel_loop3A_325] {strides = array<i32>} : memref<2x4096xf32, #tpu.memory_space<vmem>>, vector<16xf32>,
      %parallel_loop3A_327 = arith.subf %parallel_loop3A_326, %parallel_loop3A_322 : vector<16xf32>
      %parallel_loop3A_328 = arith.mulf %parallel_loop3A_327, %parallel_loop3A_327 : vector<16xf32>
      %parallel_loop3A_329 = arith.addf %parallel_loop3A_299, %parallel_loop3A_328 : vector<16xf32>
      %parallel_loop3A_330 = arith.constant 32 : i32
      %parallel_loop3A_331 = arith.addi %parallel_loop3A_297, %parallel_loop3A_330 : i32
      %parallel_loop3A_332 = arith.constant 8192 : i32
      %parallel_loop3A_333 = arith.addi %parallel_loop3A_332, %parallel_loop3A_331 : i32
      %parallel_loop3A_334 = arith.index_cast %parallel_loop3A_333 : i32 to index
      %parallel_loop3A_335 = tpu.vector_load %arg6[%parallel_loop3A_334] {strides = array<i32>} : memref<16384xi32, #tpu.memory_space<vmem>>, vector<16xi32>,
      %parallel_loop3A_336 = tpu.vector_load_idx %arg8[%parallel_loop3A_335] : memref<100000xf32, #tpu.memory_space<vmem>>[vector<16xi32>], vector<16xf32>,
      %parallel_loop3A_337 = arith.constant 0 : i32
      %parallel_loop3A_338 = arith.index_cast %parallel_loop3A_337 : i32 to index
      %parallel_loop3A_339 = arith.index_cast %parallel_loop3A_331 : i32 to index
      %parallel_loop3A_340 = tpu.vector_load %arg7[%parallel_loop3A_338, %parallel_loop3A_339] {strides = array<i32>} : memref<2x4096xf32, #tpu.memory_space<vmem>>, vector<16xf32>,
      %parallel_loop3A_341 = arith.subf %parallel_loop3A_340, %parallel_loop3A_336 : vector<16xf32>
      %parallel_loop3A_342 = arith.mulf %parallel_loop3A_341, %parallel_loop3A_341 : vector<16xf32>
      %parallel_loop3A_343 = arith.addf %parallel_loop3A_300, %parallel_loop3A_342 : vector<16xf32>
      %parallel_loop3A_344 = arith.constant 48 : i32
      %parallel_loop3A_345 = arith.addi %parallel_loop3A_297, %parallel_loop3A_344 : i32
      %parallel_loop3A_346 = arith.constant 8192 : i32
      %parallel_loop3A_347 = arith.addi %parallel_loop3A_346, %parallel_loop3A_345 : i32
      %parallel_loop3A_348 = arith.index_cast %parallel_loop3A_347 : i32 to index
      %parallel_loop3A_349 = tpu.vector_load %arg6[%parallel_loop3A_348] {strides = array<i32>} : memref<16384xi32, #tpu.memory_space<vmem>>, vector<16xi32>,
      %parallel_loop3A_350 = tpu.vector_load_idx %arg8[%parallel_loop3A_349] : memref<100000xf32, #tpu.memory_space<vmem>>[vector<16xi32>], vector<16xf32>,
      %parallel_loop3A_351 = arith.constant 0 : i32
      %parallel_loop3A_352 = arith.index_cast %parallel_loop3A_351 : i32 to index
      %parallel_loop3A_353 = arith.index_cast %parallel_loop3A_345 : i32 to index
      %parallel_loop3A_354 = tpu.vector_load %arg7[%parallel_loop3A_352, %parallel_loop3A_353] {strides = array<i32>} : memref<2x4096xf32, #tpu.memory_space<vmem>>, vector<16xf32>,
      %parallel_loop3A_355 = arith.subf %parallel_loop3A_354, %parallel_loop3A_350 : vector<16xf32>
      %parallel_loop3A_356 = arith.mulf %parallel_loop3A_355, %parallel_loop3A_355 : vector<16xf32>
      %parallel_loop3A_357 = arith.addf %parallel_loop3A_301, %parallel_loop3A_356 : vector<16xf32>
      scf.yield %parallel_loop3A_315, %parallel_loop3A_329, %parallel_loop3A_343, %parallel_loop3A_357 : vector<16xf32>, vector<16xf32>, vector<16xf32>, vector<16xf32>
    } {sc.loop_unroll_factor = 2 : i64, sc.parallel_access}
    %dma_wait3A_276 = arith.constant 1 : i32
    %dma_wait3A_277 = arith.constant 0 : i32
    %dma_wait3A_278 = tpu.memref_slice %arg7[%dma_wait3A_276, %dma_wait3A_277] : memref<2x4096xf32, #tpu.memory_space<vmem>> -> memref<1x4096xf32, #tpu.memory_space<vmem>>
    %dma_wait3A_279 = tpu.memref_squeeze %dma_wait3A_278 : memref<1x4096xf32, #tpu.memory_space<vmem>> -> memref<4096xf32, #tpu.memory_space<vmem>>
    %dma_wait3A_280 = arith.constant 12288 : i32
    %dma_wait3A_281 = tpu.memref_slice %arg2[%add3A_258, %dma_wait3A_280] : memref<64x16384xf32, #tpu.memory_space<hbm>> -> memref<1x4096xf32, #tpu.memory_space<hbm>>
    %dma_wait3A_282 = tpu.memref_squeeze %dma_wait3A_281 : memref<1x4096xf32, #tpu.memory_space<hbm>> -> memref<4096xf32, #tpu.memory_space<hbm>>
    %dma_wait3A_283 = arith.constant 0 : i32
    %dma_wait3A_284 = tpu.memref_slice %arg7[%dma_wait3A_276, %dma_wait3A_283] : memref<2x4096xf32, #tpu.memory_space<vmem>> -> memref<1x4096xf32, #tpu.memory_space<vmem>>
    %dma_wait3A_285 = tpu.memref_squeeze %dma_wait3A_284 : memref<1x4096xf32, #tpu.memory_space<vmem>> -> memref<4096xf32, #tpu.memory_space<vmem>>
    %dma_wait3A_286 = arith.constant 12288 : i32
    %dma_wait3A_287 = tpu.memref_slice %arg2[%add3A_258, %dma_wait3A_286] : memref<64x16384xf32, #tpu.memory_space<hbm>> -> memref<1x4096xf32, #tpu.memory_space<hbm>>
    %dma_wait3A_288 = tpu.memref_squeeze %dma_wait3A_287 : memref<1x4096xf32, #tpu.memory_space<hbm>> -> memref<4096xf32, #tpu.memory_space<hbm>>
    tpu.wait_dma2 semaphore(%arg13 : memref<!tpu.dma_semaphore, #tpu.memory_space<semaphore_mem>>) src(%dma_wait3A_288 : memref<4096xf32, #tpu.memory_space<hbm>>) dst(%dma_wait3A_285 : memref<4096xf32, #tpu.memory_space<vmem>>)
    %parallel_loop3A_289 = arith.constant 0 : i32
    %parallel_loop3A_290 = arith.constant 4096 : i32
    %parallel_loop3A_291 = arith.constant 64 : i32
    %parallel_loop3A_292:4 = scf.for %parallel_loop3A_297 = %parallel_loop3A_289 to %parallel_loop3A_290 step %parallel_loop3A_291 iter_args(%parallel_loop3A_298 = %parallel_loop3A_275#0, %parallel_loop3A_299 = %parallel_loop3A_275#1, %parallel_loop3A_300 = %parallel_loop3A_275#2, %parallel_loop3A_301 = %parallel_loop3A_275#3) -> (vector<16xf32>, vector<16xf32>, vector<16xf32>, vector<16xf32>)  : i32 {
      %parallel_loop3A_302 = arith.constant 0 : i32
      %parallel_loop3A_303 = arith.addi %parallel_loop3A_297, %parallel_loop3A_302 : i32
      %parallel_loop3A_304 = arith.constant 12288 : i32
      %parallel_loop3A_305 = arith.addi %parallel_loop3A_304, %parallel_loop3A_303 : i32
      %parallel_loop3A_306 = arith.index_cast %parallel_loop3A_305 : i32 to index
      %parallel_loop3A_307 = tpu.vector_load %arg6[%parallel_loop3A_306] {strides = array<i32>} : memref<16384xi32, #tpu.memory_space<vmem>>, vector<16xi32>,
      %parallel_loop3A_308 = tpu.vector_load_idx %arg8[%parallel_loop3A_307] : memref<100000xf32, #tpu.memory_space<vmem>>[vector<16xi32>], vector<16xf32>,
      %parallel_loop3A_309 = arith.constant 1 : i32
      %parallel_loop3A_310 = arith.index_cast %parallel_loop3A_309 : i32 to index
      %parallel_loop3A_311 = arith.index_cast %parallel_loop3A_303 : i32 to index
      %parallel_loop3A_312 = tpu.vector_load %arg7[%parallel_loop3A_310, %parallel_loop3A_311] {strides = array<i32>} : memref<2x4096xf32, #tpu.memory_space<vmem>>, vector<16xf32>,
      %parallel_loop3A_313 = arith.subf %parallel_loop3A_312, %parallel_loop3A_308 : vector<16xf32>
      %parallel_loop3A_314 = arith.mulf %parallel_loop3A_313, %parallel_loop3A_313 : vector<16xf32>
      %parallel_loop3A_315 = arith.addf %parallel_loop3A_298, %parallel_loop3A_314 : vector<16xf32>
      %parallel_loop3A_316 = arith.constant 16 : i32
      %parallel_loop3A_317 = arith.addi %parallel_loop3A_297, %parallel_loop3A_316 : i32
      %parallel_loop3A_318 = arith.constant 12288 : i32
      %parallel_loop3A_319 = arith.addi %parallel_loop3A_318, %parallel_loop3A_317 : i32
      %parallel_loop3A_320 = arith.index_cast %parallel_loop3A_319 : i32 to index
      %parallel_loop3A_321 = tpu.vector_load %arg6[%parallel_loop3A_320] {strides = array<i32>} : memref<16384xi32, #tpu.memory_space<vmem>>, vector<16xi32>,
      %parallel_loop3A_322 = tpu.vector_load_idx %arg8[%parallel_loop3A_321] : memref<100000xf32, #tpu.memory_space<vmem>>[vector<16xi32>], vector<16xf32>,
      %parallel_loop3A_323 = arith.constant 1 : i32
      %parallel_loop3A_324 = arith.index_cast %parallel_loop3A_323 : i32 to index
      %parallel_loop3A_325 = arith.index_cast %parallel_loop3A_317 : i32 to index
      %parallel_loop3A_326 = tpu.vector_load %arg7[%parallel_loop3A_324, %parallel_loop3A_325] {strides = array<i32>} : memref<2x4096xf32, #tpu.memory_space<vmem>>, vector<16xf32>,
      %parallel_loop3A_327 = arith.subf %parallel_loop3A_326, %parallel_loop3A_322 : vector<16xf32>
      %parallel_loop3A_328 = arith.mulf %parallel_loop3A_327, %parallel_loop3A_327 : vector<16xf32>
      %parallel_loop3A_329 = arith.addf %parallel_loop3A_299, %parallel_loop3A_328 : vector<16xf32>
      %parallel_loop3A_330 = arith.constant 32 : i32
      %parallel_loop3A_331 = arith.addi %parallel_loop3A_297, %parallel_loop3A_330 : i32
      %parallel_loop3A_332 = arith.constant 12288 : i32
      %parallel_loop3A_333 = arith.addi %parallel_loop3A_332, %parallel_loop3A_331 : i32
      %parallel_loop3A_334 = arith.index_cast %parallel_loop3A_333 : i32 to index
      %parallel_loop3A_335 = tpu.vector_load %arg6[%parallel_loop3A_334] {strides = array<i32>} : memref<16384xi32, #tpu.memory_space<vmem>>, vector<16xi32>,
      %parallel_loop3A_336 = tpu.vector_load_idx %arg8[%parallel_loop3A_335] : memref<100000xf32, #tpu.memory_space<vmem>>[vector<16xi32>], vector<16xf32>,
      %parallel_loop3A_337 = arith.constant 1 : i32
      %parallel_loop3A_338 = arith.index_cast %parallel_loop3A_337 : i32 to index
      %parallel_loop3A_339 = arith.index_cast %parallel_loop3A_331 : i32 to index
      %parallel_loop3A_340 = tpu.vector_load %arg7[%parallel_loop3A_338, %parallel_loop3A_339] {strides = array<i32>} : memref<2x4096xf32, #tpu.memory_space<vmem>>, vector<16xf32>,
      %parallel_loop3A_341 = arith.subf %parallel_loop3A_340, %parallel_loop3A_336 : vector<16xf32>
      %parallel_loop3A_342 = arith.mulf %parallel_loop3A_341, %parallel_loop3A_341 : vector<16xf32>
      %parallel_loop3A_343 = arith.addf %parallel_loop3A_300, %parallel_loop3A_342 : vector<16xf32>
      %parallel_loop3A_344 = arith.constant 48 : i32
      %parallel_loop3A_345 = arith.addi %parallel_loop3A_297, %parallel_loop3A_344 : i32
      %parallel_loop3A_346 = arith.constant 12288 : i32
      %parallel_loop3A_347 = arith.addi %parallel_loop3A_346, %parallel_loop3A_345 : i32
      %parallel_loop3A_348 = arith.index_cast %parallel_loop3A_347 : i32 to index
      %parallel_loop3A_349 = tpu.vector_load %arg6[%parallel_loop3A_348] {strides = array<i32>} : memref<16384xi32, #tpu.memory_space<vmem>>, vector<16xi32>,
      %parallel_loop3A_350 = tpu.vector_load_idx %arg8[%parallel_loop3A_349] : memref<100000xf32, #tpu.memory_space<vmem>>[vector<16xi32>], vector<16xf32>,
      %parallel_loop3A_351 = arith.constant 1 : i32
      %parallel_loop3A_352 = arith.index_cast %parallel_loop3A_351 : i32 to index
      %parallel_loop3A_353 = arith.index_cast %parallel_loop3A_345 : i32 to index
      %parallel_loop3A_354 = tpu.vector_load %arg7[%parallel_loop3A_352, %parallel_loop3A_353] {strides = array<i32>} : memref<2x4096xf32, #tpu.memory_space<vmem>>, vector<16xf32>,
      %parallel_loop3A_355 = arith.subf %parallel_loop3A_354, %parallel_loop3A_350 : vector<16xf32>
      %parallel_loop3A_356 = arith.mulf %parallel_loop3A_355, %parallel_loop3A_355 : vector<16xf32>
      %parallel_loop3A_357 = arith.addf %parallel_loop3A_301, %parallel_loop3A_356 : vector<16xf32>
      scf.yield %parallel_loop3A_315, %parallel_loop3A_329, %parallel_loop3A_343, %parallel_loop3A_357 : vector<16xf32>, vector<16xf32>, vector<16xf32>, vector<16xf32>
    } {sc.loop_unroll_factor = 2 : i64, sc.parallel_access}
    %add3A_293 = arith.addf %parallel_loop3A_292#0, %parallel_loop3A_292#1 : vector<16xf32>
    %add3A_294 = arith.addf %add3A_293, %parallel_loop3A_292#2 : vector<16xf32>
    %add3A_295 = arith.addf %add3A_294, %parallel_loop3A_292#3 : vector<16xf32>
    %swap3A = arith.constant 0 : index
    %swap3A_296 = tpu.vector_load %arg9[%swap3A] {strides = array<i32>} : memref<16xf32, #tpu.memory_space<vmem>>, vector<16xf32>,
    tpu.vector_store %arg9[%swap3A], %add3A_295 {strides = array<i32>} : memref<16xf32, #tpu.memory_space<vmem>>, vector<16xf32>,
    "tpu.region"() ({
      %run_scoped3A = tpu.sem_alloc : memref<!tpu.dma_semaphore, #tpu.memory_space<semaphore_mem>>
      %dma_start3A_297 = arith.constant 0 : i32
      %dma_start3A_298 = tpu.memref_slice %arg5[%add3A, %dma_start3A_297] : memref<32x16xf32, #tpu.memory_space<hbm>> -> memref<1x16xf32, #tpu.memory_space<hbm>>
      %dma_start3A_299 = tpu.memref_squeeze %dma_start3A_298 : memref<1x16xf32, #tpu.memory_space<hbm>> -> memref<16xf32, #tpu.memory_space<hbm>>
      %dma_start3A_300 = arith.constant 0 : i32
      %dma_start3A_301 = tpu.memref_slice %arg5[%add3A, %dma_start3A_300] : memref<32x16xf32, #tpu.memory_space<hbm>> -> memref<1x16xf32, #tpu.memory_space<hbm>>
      %dma_start3A_302 = tpu.memref_squeeze %dma_start3A_301 : memref<1x16xf32, #tpu.memory_space<hbm>> -> memref<16xf32, #tpu.memory_space<hbm>>
      tpu.enqueue_dma source(%arg9 : memref<16xf32, #tpu.memory_space<vmem>>) target(%dma_start3A_302 : memref<16xf32, #tpu.memory_space<hbm>>) target_semaphore(%run_scoped3A : memref<!tpu.dma_semaphore, #tpu.memory_space<semaphore_mem>>)
      %dma_wait3A_303 = arith.constant 0 : i32
      %dma_wait3A_304 = tpu.memref_slice %arg5[%add3A, %dma_wait3A_303] : memref<32x16xf32, #tpu.memory_space<hbm>> -> memref<1x16xf32, #tpu.memory_space<hbm>>
      %dma_wait3A_305 = tpu.memref_squeeze %dma_wait3A_304 : memref<1x16xf32, #tpu.memory_space<hbm>> -> memref<16xf32, #tpu.memory_space<hbm>>
      %dma_wait3A_306 = arith.constant 0 : i32
      %dma_wait3A_307 = tpu.memref_slice %arg5[%add3A, %dma_wait3A_306] : memref<32x16xf32, #tpu.memory_space<hbm>> -> memref<1x16xf32, #tpu.memory_space<hbm>>
      %dma_wait3A_308 = tpu.memref_squeeze %dma_wait3A_307 : memref<1x16xf32, #tpu.memory_space<hbm>> -> memref<16xf32, #tpu.memory_space<hbm>>
      tpu.wait_dma2 semaphore(%run_scoped3A : memref<!tpu.dma_semaphore, #tpu.memory_space<semaphore_mem>>) src(%arg9 : memref<16xf32, #tpu.memory_space<vmem>>) dst(%dma_wait3A_308 : memref<16xf32, #tpu.memory_space<hbm>>)
      tpu.yield
    }) : () -> ()
    return
  }
}

</mosaic_0001>

<sc_bundles>
// kernel: _partials.3.cloned.1.call-start
scs
__scs_entry_jumppad:
0x0: {  	(pc) =	sbr.rel $0x88, $3  }
0x1: {  	(tag) =	ssettag $0x0;
	lr =	simm.s32 $0x1  }
0x2: {  	[smem:$0x3F9E] =	sst lr;
	_ =	strace $0xD0000000  }
0x3: {  	_ = 	snop  }
0x4: {  	_ = 	snop  }
0x5: {  	_ = 	snop  }
0x6: {  	_ = 	snop  }
0x7: {  	_ = 	snop  }
__scs_overlays_trampoline_lowered:
0x8: {  	[smem:$0x3FAD] =	sst s0  }
0x9: {  	[smem:$0x3FAE] =	sst s1  }
0xa: {  	[smem:$0x3FAF] =	sst s2  }
0xb: {  	[smem:$0x3FB0] =	sst s3  }
0xc: {  	[smem:$0x3FB1] =	sst s4  }
0xd: {  	[smem:$0x3FB2] =	sst s5  }
0xe: {  	[smem:$0x3FB3] =	sst s6  }
0xf: {  	[smem:$0x3FB4] =	sst s7  }
0x10: {  	[smem:$0x3FB5] =	sst s8  }
0x11: {  	[smem:$0x3FB6] =	sst s9;
	s0 =	simm.s32 @!p0 $0x0  }
0x12: {  	s1 =	sld [smem:$0x3F9C];
	s0 =	simm.s32 @p0 $0x1  }
0x13: {  	[smem:$0x3FB7] =	sst s0;
	s0 =	simm.s32 @!p1 $0x0  }
0x14: {  	s2 =	sld [smem:$0x3F9B];
	s0 =	simm.s32 @p1 $0x1  }
0x15: {  	[smem:$0x3FB8] =	sst s0;
	s0 =	simm.s32 @!p2 $0x0  }
0x16: {  	s3 =	sld [smem:$0x3FDB];
	s0 =	simm.s32 @p2 $0x1  }
0x17: {  	s4 =	simm.s32 $0x1BF5;
	[smem:$0x3FBA] =	sst s0  }
0x18: {  	s0 =	sld [smem:$0x3F9D];
	_ =	swait.ge [sflag:s4], $0x0  }
0x19: {  	s7 =	sld [smem:$0x3F9E]  }
0x1a: {  	s8 =	sadd.s32 $0xFFFFE003, lr  }
0x1b: {  	s9 =	sadd.s32 $0xFFFFFEF7, lr;
	s5 =	simm.s32 $0xFFFFFFFF;
	p2 =	slt.u32 s8, $0xFFFFF086  }
0x1c: {  	p1 =	slt.u32 s9, $0xF7A;
	s5 =	simm.s32 @!p2 $0x0  }
0x1d: {  	s5 =	simm.s32 @p1 $0x1;
	p0 =	seq.s32 s7, s2  }
0x1e: {  	s7 =	smul.u32 @!p0 $0xF7A, s2;
	p2 =	seq.s32 @!p0 s5, $0x0  }
0x1f: {  	s9 =	smul.u32 $0xF7A, s1;
	s8 =	simm.s32 @!p0 $0x1BF5;
	p2 =	por !p2, p0  }
0x20: {  	[sflag:s8] =	ssyncset.s32 @!p0 $0xFFFFF086;
	s6 =	sadd.s32 @!p0 s3, s7;
	s7 =	simm.s32 @!p0 $0x108  }
0x21: {  	s3 =	sadd.s32 s3, s9;
	s6 =	sadd.s32 @!p0 $0x88, s6;
	s7 =	simm.s32 @p2 $0x1082  }
0x22: {  	[simem:s7], [sflag:s8] =	dma.local @!p0 [hbm:s6], $0xF7A  }
0x23: {  	s9 =	sor.u32 $0xD0000000, s2;
	s6 =	simm.s32 $0x108;
	_ =	swait.ge @!p0 [sflag:s8], $0x0  }
0x24: {  	s3 =	sadd.s32 $0x88, s3;
	s6 =	simm.s32 @!p1 $0x1082;
	[sflag:s4] =	ssyncset.s32 $0xFFFFF086  }
0x25: {  	[simem:s6], [sflag:s4] =	dma.local [hbm:s3], $0xF7A  }
0x26: {  	[smem:$0x3F9E] =	sst s1;
	(tag) =	ssettag s2;
	_ =	strace s9  }
0x27: {  	s1 =	sld [smem:$0x3FAE]  }
0x28: {  	s2 =	sld [smem:$0x3FAF]  }
0x29: {  	s4 =	sld [smem:$0x3FB1]  }
0x2a: {  	p0 =	seq.s32 s5, $0x0;
	s5 =	sld [smem:$0x3FB2]  }
0x2b: {  	s6 =	sld [smem:$0x3FB3]  }
0x2c: {  	s7 =	sld [smem:$0x3FB4]  }
0x2d: {  	s3 =	simm.s32 $0x108;
	s8 =	sld [smem:$0x3FB5]  }
0x2e: {  	s3 =	simm.s32 @!p0 $0x1082;
	s9 =	sld [smem:$0x3FB6]  }
0x2f: {  	lr =	sadd.s32 s0, s3;
	s0 =	sld [smem:$0x3FAD]  }
0x30: {  	s3 =	sld [smem:$0x3FB0]  }
0x31: {  	[smem:$0x3FB9] =	sst s10  }
0x32: {  	s10 =	sld [smem:$0x3FB7];
	_ =	sdelay $0x3  }
0x33: {  	p0 =	seq.s32 s10, $0x1;
	s10 =	sld [smem:$0x3FB9];
	_ =	sdelay $0x3  }
0x34: {  	[smem:$0x3FB9] =	sst s10  }
0x35: {  	s10 =	sld [smem:$0x3FB8];
	_ =	sdelay $0x3  }
0x36: {  	p1 =	seq.s32 s10, $0x1;
	s10 =	sld [smem:$0x3FB9];
	_ =	sdelay $0x3  }
0x37: {  	[smem:$0x3FB9] =	sst s10  }
0x38: {  	s10 =	sld [smem:$0x3FBA]  }
0x39: {  	_ = 	snop;
	(pc) =	sbr.ind lr, $3  }
0x3a: {  	_ = 	snop  }
0x3b: {  	_ = 	snop  }
0x3c: {  	p2 =	seq.s32 s10, $0x1;
	s10 =	sld [smem:$0x3FB9]  }
0x3d: {  	_ =	shalt  }
0x3e: {  	_ =	shalt  }
0x3f: {  	_ =	shalt  }
0x40: {  	_ =	shalt  }
0x41: {  	_ =	shalt  }
0x42: {  	_ =	shalt  }
0x43: {  	_ =	shalt  }
0x44: {  	_ =	shalt  }
0x45: {  	_ =	shalt  }
0x46: {  	_ =	shalt  }
0x47: {  	_ =	shalt  }
0x48: {  	_ =	shalt  }
0x49: {  	_ =	shalt  }
0x4a: {  	_ =	shalt  }
0x4b: {  	_ =	shalt  }
0x4c: {  	_ =	shalt  }
0x4d: {  	_ =	shalt  }
0x4e: {  	_ =	shalt  }
0x4f: {  	_ =	shalt  }
0x50: {  	_ =	shalt  }
0x51: {  	_ =	shalt  }
0x52: {  	_ =	shalt  }
0x53: {  	_ =	shalt  }
0x54: {  	_ =	shalt  }
0x55: {  	_ =	shalt  }
0x56: {  	_ =	shalt  }
0x57: {  	_ =	shalt  }
0x58: {  	_ =	shalt  }
0x59: {  	_ =	shalt  }
0x5a: {  	_ =	shalt  }
0x5b: {  	_ =	shalt  }
0x5c: {  	_ =	shalt  }
0x5d: {  	_ =	shalt  }
0x5e: {  	_ =	shalt  }
0x5f: {  	_ =	shalt  }
0x60: {  	_ =	shalt  }
0x61: {  	_ =	shalt  }
0x62: {  	_ =	shalt  }
0x63: {  	_ =	shalt  }
0x64: {  	_ =	shalt  }
0x65: {  	_ =	shalt  }
0x66: {  	_ =	shalt  }
0x67: {  	_ =	shalt  }
0x68: {  	_ =	shalt  }
0x69: {  	_ =	shalt  }
0x6a: {  	_ =	shalt  }
0x6b: {  	_ =	shalt  }
0x6c: {  	_ =	shalt  }
0x6d: {  	_ =	shalt  }
0x6e: {  	_ =	shalt  }
0x6f: {  	_ =	shalt  }
0x70: {  	_ =	shalt  }
0x71: {  	_ =	shalt  }
0x72: {  	_ =	shalt  }
0x73: {  	_ =	shalt  }
0x74: {  	_ =	shalt  }
0x75: {  	_ =	shalt  }
0x76: {  	_ =	shalt  }
0x77: {  	_ =	shalt  }
0x78: {  	_ =	shalt  }
0x79: {  	_ =	shalt  }
0x7a: {  	_ =	shalt  }
0x7b: {  	_ =	shalt  }
0x7c: {  	_ =	shalt  }
0x7d: {  	_ =	shalt  }
0x7e: {  	_ =	shalt  }
0x7f: {  	_ =	shalt  }
0x80: {  	_ =	shalt  }
0x81: {  	_ =	shalt  }
0x82: {  	_ =	shalt  }
0x83: {  	_ =	shalt  }
0x84: {  	_ =	shalt  }
0x85: {  	_ =	shalt  }
0x86: {  	_ =	shalt  }
0x87: {  	_ =	shalt  }
.Lfunc_end0:
.L_simem_size_0:
called_computation_lowered:
.L_overlay_start_0:
0x88: {  	s2 =	sld [smem:$0x3FD9]  }
0x89: {  	s3 =	sld [smem:$0x3FFE];
	_ =	sdelay $0x1  }
0x8a: {  	s1 =	srdreg.scid  }
0x8b: {  	s0 =	sand.u32 $0x1, s1  }
0x8c: {  	s17 =	sshll.u32 s0, $0xA;
	s2 =	sadd.s32 s3, s2  }
0x8d: {  	s2 =	sadd.s32 s2, s17  }
0x8e: {  	[smem:$0x3FC5] =	sst s2  }
0x8f: {  	_ = 	snop  }
0x90: {  	s2 =	sld [smem:$0x3FC9]  }
0x91: {  	s18 =	sld [smem:$0x3FC8]  }
0x92: {  	s4 =	sld [smem:$0x3FC7];
	(tm) =	ssettm $0x1  }
0x93: {  	s5 =	sld [smem:$0x3FFB];
	_ =	sdelay $0x3  }
0x94: {  	_ =	strace s5  }
0x95: {  	s5 =	sld [smem:$0x3FFC];
	_ =	sdelay $0x3  }
0x96: {  	_ =	strace s5  }
0x97: {  	s5 =	sld [smem:$0x3FFD];
	_ =	sdelay $0x3  }
0x98: {  	_ =	strace s5  }
0x99: {  	_ =	strace $0x8FFFFFFF  }
0x9a: {  	s19 =	sld [smem:$0x3FDB];
	_ =	sdelay $0x1  }
0x9b: {  	s6 =	simm.s32 $_scs_section_size  }
0x9c: {  	s7 =	simm.s32 $_size__tile_overlayer_lowered;
	s8 =	simm.s32 $_tile_overlayer_lowered  }
0x9d: {  	s22 =	simm.s32 $0x1BFF;
	s21 =	sshll.u32 s8, $0x1;
	s5 =	sadd.s32 s6, s19  }
0x9e: {  	s9 =	simm.s32 $0x0;
	s20 =	sshll.u32 s7, $0x1;
	s7 =	sadd.s32 s21, s5  }
0x9f: {  	[timem:s9], [sflag:s22] =	dma.local [hbm:s7], s20  }
0xa0: {  	_ =	swait.ge [sflag:s22], s20  }
0xa1: {  	s6 =	ssub.s32 $0x0, s20;
	[sflag:s22] =	ssyncset.done $0x0  }
0xa2: {  	[sflag:s22] =	ssyncadd.s32 s6;
	_ =	sdelay $0x1  }
0xa3: {  	s23 =	simm.s32 $0x1B8B  }
0xa4: {  	_ =	swait.ge [sflag:s23], $0x1  }
0xa5: {  	[sflag:s23] =	ssyncset.done $0x0  }
0xa6: {  	s25 =	simm.s32 $0x1B8E;
	s24 =	sld [smem:$0x3FFE];
	[sflag:s23] =	ssyncadd.s32 $0xFFFFFFFF  }
0xa7: {  	s26 =	simm.s32 $execute0_lowered;
	[smem:$0x3FD2] =	sst s25  }
0xa8: {  	s7 =	sshll.u32 s26, $0x1;
	_ =	strace $0x80000046;
	[dreg:$0x1] =	wrdreg $0xFFFFFFFF  }
0xa9: {  	s28 =	simm.s32 $_size_execute0_lowered;
	s5 =	sadd.s32 s5, s7;
	[dreg:$0x0] =	wrdreg $0x0  }
0xaa: {  	s7 =	sshll.u32 s28, $0x1;
	[dreg:$0x2] =	wrdreg s5  }
0xab: {  	[dreg:$0x3] =	wrdreg s7  }
0xac: {  	[dreg:$0x4] =	wrdreg $0xC0  }
0xad: {  	_ =	task [dreg:s9], $0x5FFFF  }
0xae: {  	[dreg:$0x1] =	wrdreg $0xFFFFFFFF  }
0xaf: {  	[dreg:$0x0] =	wrdreg $0x60  }
0xb0: {  	[dreg:$0x2] =	wrdreg s2  }
0xb1: {  	[dreg:$0x3] =	wrdreg s18  }
0xb2: {  	[dreg:$0x4] =	wrdreg s4  }
0xb3: {  	[dreg:$0x5] =	wrdreg s24  }
0xb4: {  	[dreg:$0x6] =	wrdreg $0x9  }
0xb5: {  	_ =	task.clear_ibuf [dreg:s9], $0x7FFFF;
	_ =	strace $0x90000046  }
0xb6: {  	s29 =	simm.s32 $0x9;
	_ =	strace $0x80000048  }
0xb7: {  	_ =	swait.ge [sflag:s29], $0x1  }
0xb8: {  	[sflag:s29] =	ssyncadd.s32 $0xFFFFFFFF  }
0xb9: {  	_ =	strace $0x90000048  }
0xba: {  	_ =	sfence  }
0xbb: {  	s30 =	sld [smem:$0x0];
	_ =	sdelay $0x2  }
0xbc: {  	s31 =	sshll.u32 s1, $0xD;
	s1 =	sshrl.u32 s1, $0x2  }
0xbd: {  	s3 =	sand.u32 $0x4000, s31;
	s1 =	sadd.s32 s1, s30  }
0xbe: {  	s0 =	sor.u32 s3, s0;
	s1 =	sshll.u32 s1, $0x11  }
0xbf: {  	s0 =	sor.u32 s1, s0  }
0xc0: {  	s0 =	sadd.s32 $0x8F2B, s0  }
0xc1: {  	[sflag:s0] =	ssyncadd.remote.s32 $0x1  }
0xc2: {  	_ =	sfence.sel $0xFFFF  }
0xc3: {  	[dreg:$0x0] =	wrdreg $0xFFFFFFFF;
	(pc) =	sbr.abs _section_cstart, $3  }
0xc4: {  	[dreg:$0x1] =	wrdreg $0xFFFFFFFF  }
0xc5: {  	_ =	task.clear_ibuf [dreg:s9], $0x2FFFF;
	_ =	strace $0x9FFFFFFF  }
0xc6: {  	(tm) =	ssettm $0x7FFFFFFF  }
0xc7: {  	_ =	shalt  }
tec
execute0_lowered:
.L_overlay_start_1:
0x0: {  	(tag) =	ssettag $0x1  }
0x1: {  	s9 =	rddreg [dreg:$0x0]  }
0x2: {  	s1 =	rddreg [dreg:$0x1]  }
0x3: {  	s10 =	rddreg [dreg:$0x2]  }
0x4: {  	s4 =	rddreg [dreg:$0x3]  }
0x5: {  	s0 =	rddreg [dreg:$0x4];
	s5 =	srdreg.scid  }
0x6: {  	s2 =	stileid.u32;
	s3 =	simm.s32 $0x0;
	s19 =	simm.s32 $0x1  }
0x7: {  	s20 =	simm.s32 $0x3;
	s21 =	simm.s32 $0x2;
	s22 =	simm.s32 $0x4  }
0x8: {  	s23 =	simm.s32 $0x1E700;
	s24 =	simm.s32 $0x5;
	s5 =	sand.u32 $0x1, s5  }
0x9: {  	s6 =	sshll.u32 s2, $0x1;
	[smem:$0x7FF] =	sst s3;
	s8 =	sshrl.u32 s2, $0x1  }
0xa: {  	s13 =	sadd.s32 $0x1000, s9;
	s16 =	sadd.s32 $0x2000, s9;
	s31 =	sadd.s32 $0x3000, s9  }
0xb: {  	s6 =	sor.u32 s5, s6;
	_ =	strace $0x80000047;
	s11 =	smul.u32 $0xC3800, s8  }
0xc: {  	s5 =	ssub.s32 $0x2, s5;
	s8 =	sshll.u32 s8, $0x11;
	s7 =	sshll.u32 s6, $0x4  }
0xd: {  	s25 =	sshll.u32 s6, $0x8;
	s28 =	sshrl.u32 s5, $0x1;
	s14 =	sadd.s32 s7, s4  }
0xe: {  	s26 =	sand.u32 $0x300, s25;
	s15 =	ssub.s32 s5, s28;
	s25 =	simm.s32 $0x0  }
0xf: {  	s29 =	sor.u32 s11, s26;
	s12 =	sor.u32 s8, s26;
	s17 =	sor.u32 $0x80, s26  }
0x10: {  	s14 =	sadd.s32 $0x400, s14;
	s15 =	smax.u32 s15, $0x1;
	s30 =	sshrl.u32 s29, $0x3  }
0x11: {  	s12 =	sshrl.u32 s12, $0x3;
	s8 =	sor.u32 s8, s17;
	s11 =	sor.u32 s11, s17  }
0x12: {  	s17 =	simm.s32 $0x400;
	s4 =	sadd.s32 s10, s30;
	s5 =	sadd.s32 s9, s12  }
0x13: {  	s6 =	sadd.s32 s12, s13;
	s7 =	sadd.s32 s12, s16;
	s18 =	sshrl.u32 s8, $0x3  }
0x14: {  	s11 =	sshrl.u32 s11, $0x3;
	s8 =	sadd.s32 s12, s31;
	s9 =	sadd.s32 s9, s18  }
0x15: {  	s10 =	sadd.s32 s10, s11;
	s11 =	sadd.s32 s18, s13;
	s12 =	sadd.s32 s18, s16  }
0x16: {  	s13 =	sadd.s32 s18, s31;
	s16 =	simm.s32 $0x80;
	s18 =	simm.s32 $0x6000  }
.LBB2_1:
0x17: {  	[tilespmem:s18], [sflag:$0x2] =	stream.strided.gather [hbm4b:s4+s16], $0x18700, s17, s16, $0x38;
	[tilespmem:$0x1E780] =	vst v63  }
0x18: {  	s26 =	simm.s32 $0x4000  }
0x19: {  	s28 =	simm.s32 $0x80;
	s30 =	sadd.s32 $0x0, s5;
	s29 =	simm.s32 $0x4100  }
0x1a: {  	[tilespmem:s3], [sflag:$0x1] =	stream.linear.gather [hbm4b:s1+s3], $0x4000, $0x38;
	[tilespmem:$0x1E780] =	vst v63  }
.LBB2_2:
0x1b: {  	[tilespmem:s26], [sflag:$0x3] =	stream.linear.gather [hbm4b:s30+s3], $0x80, $0x38;
	[tilespmem:$0x1E780] =	vst v63  }
0x1c: {  	s30 =	smov.u32 s28;
	s26 =	smov.u32 s29;
	p0 =	sne.s32 s28, $0xF80  }
.Ltmp0:
0x1d: {  	s28 =	sadd.s32 $0x80, s28;
	(pc) =	sbr.rel @p0 .LBB2_2-.Ltmp0, $2  }
0x1e: {  	_ =	sdelay $0x2  }
0x1f: {  	s29 =	sadd.s32 $0x100, s29;
	s30 =	sadd.s32 s30, s5  }
0x20: {  	[tilespmem:s26], [sflag:$0x3] =	stream.linear.gather [hbm4b:s30+s3], $0x80, $0x38;
	[tilespmem:$0x1E780] =	vst v63  }
0x21: {  	_ =	swait.ge [sflag:s19], $0x4000  }
0x22: {  	[sflag:s19] =	ssyncset.done $0x0  }
0x23: {  	[sflag:s19] =	ssyncadd.s32 $0xFFFFC000  }
0x24: {  	_ =	swait.ge [sflag:s20], $0x1000  }
0x25: {  	s26 =	simm.s32 $0x4080;
	s28 =	simm.s32 $0x80;
	[sflag:s20] =	ssyncset.done $0x0  }
0x26: {  	s30 =	sadd.s32 $0x0, s6;
	s29 =	simm.s32 $0x4180;
	[sflag:s20] =	ssyncadd.s32 $0xFFFFF000  }
.LBB2_4:
0x27: {  	[tilespmem:s26], [sflag:$0x4] =	stream.linear.gather [hbm4b:s30+s3], $0x80, $0x38;
	[tilespmem:$0x1E780] =	vst v63  }
0x28: {  	s30 =	smov.u32 s28;
	s26 =	smov.u32 s29;
	p0 =	sne.s32 s28, $0xF80  }
.Ltmp1:
0x29: {  	s28 =	sadd.s32 $0x80, s28;
	(pc) =	sbr.rel @p0 .LBB2_4-.Ltmp1, $2  }
0x2a: {  	_ =	sdelay $0x2  }
0x2b: {  	s29 =	sadd.s32 $0x100, s29;
	s30 =	sadd.s32 s30, s6  }
0x2c: {  	[tilespmem:s26], [sflag:$0x4] =	stream.linear.gather [hbm4b:s30+s3], $0x80, $0x38;
	[tilespmem:$0x1E780] =	vst v63  }
0x2d: {  	_ =	swait.ge [sflag:s21], $0x18700  }
0x2e: {  	[sflag:s21] =	ssyncset.done $0x0  }
0x2f: {  	s29 =	simm.s32 $0x4040;
	[sflag:s21] =	ssyncadd.s32 $0xFFFE7900  }
0x30: {  	v7 =	vld [tilespmem:s29+$0x0]  }
0x31: {  	v0 =	vld [tilespmem:s29+$0x10]  }
0x32: {  	v1 =	vld [tilespmem:s29+$0x20]  }
0x33: {  	v2 =	vld [tilespmem:s29+$0xFFFFFFC0]  }
0x34: {  	v3 =	vld [tilespmem:s29+$0xFFFFFFD0]  }
0x35: {  	v4 =	vld [tilespmem:s29+$0xFFFFFFE0]  }
0x36: {  	s26 =	simm.s32 $0x40;
	v6 =	vld [tilespmem:s29+$0xFFFFFFF0]  }
0x37: {  	v5 =	vld [tilespmem:s26+$0x0]  }
0x38: {  	v8 =	vld [tilespmem:s26+$0x10]  }
0x39: {  	v9 =	vld [tilespmem:s26+$0xFFFFFFC0]  }
0x3a: {  	v10 =	vld [tilespmem:s26+$0xFFFFFFD0]  }
0x3b: {  	v11 =	vld [tilespmem:s26+$0xFFFFFFE0]  }
0x3c: {  	v12 =	vld [tilespmem:s26+$0xFFFFFFF0]  }
0x3d: {  	v18 =	vld [tilespmem:s26+$0x20]  }
0x3e: {  	v19 =	vld [tilespmem:s26+$0x30]  }
0x3f: {  	v20 =	vld.idx.msk [tilespmem:v5+s18+$0x0], $0xffff  }
0x40: {  	v13 =	vld.idx.msk [tilespmem:v8+s18+$0x0], $0xffff  }
0x41: {  	v17 =	vld.idx.msk [tilespmem:v9+s18+$0x0], $0xffff  }
0x42: {  	v14 =	vld.idx.msk [tilespmem:v10+s18+$0x0], $0xffff  }
0x43: {  	v16 =	vld.idx.msk [tilespmem:v11+s18+$0x0], $0xffff  }
0x44: {  	v15 =	vld.idx.msk [tilespmem:v12+s18+$0x0], $0xffff  }
0x45: {  	v11 =	vld.idx.msk [tilespmem:v18+s18+$0x0], $0xffff  }
0x46: {  	v5 =	vimm.f32 $0.0e+00;
	v10 =	vld.idx.msk [tilespmem:v19+s18+$0x0], $0xffff;
	v9 =	vimm.f32 $0.0e+00  }
0x47: {  	s28 =	simm.s32 $0x0;
	v12 =	vld [tilespmem:s29+$0x30];
	s29 =	simm.s32 $0x4140;
	v8 =	vimm.f32 $0.0e+00;
	v18 =	vsub.f32 v7, v20;
	v7 =	vimm.f32 $0.0e+00  }
.LBB2_6:
0x48: {  	v19 =	vld [tilespmem:s29+$0x0];
	v17 =	vsub.f32 v2, v17;
	v2 =	vsub.f32 v0, v13  }
0x49: {  	v3 =	vsub.f32 v3, v14;
	v4 =	vsub.f32 v4, v16;
	v0 =	vld [tilespmem:s29+$0x10]  }
0x4a: {  	v6 =	vsub.f32 v6, v15;
	v14 =	vmul.f32 v18, v18;
	v13 =	vld [tilespmem:s29+$0x20];
	v15 =	vmul.f32 v2, v2  }
0x4b: {  	v16 =	vmul.f32 v17, v17;
	v17 =	vmul.f32 v3, v3;
	v1 =	vsub.f32 v1, v11;
	v2 =	vld [tilespmem:s29+$0xFFFFFFC0]  }
0x4c: {  	v11 =	vmul.f32 v4, v4;
	v18 =	vmul.f32 v6, v6;
	v3 =	vld [tilespmem:s29+$0xFFFFFFD0];
	v10 =	vsub.f32 v12, v10  }
0x4d: {  	v5 =	vadd.f32 v16, v5;
	v9 =	vadd.f32 v17, v9;
	v12 =	vmul.f32 v1, v1;
	v4 =	vld [tilespmem:s29+$0xFFFFFFE0]  }
0x4e: {  	s26 =	sadd.s32 $0x80, s26;
	v7 =	vadd.f32 v11, v7;
	v8 =	vadd.f32 v18, v8;
	v6 =	vld [tilespmem:s29+$0xFFFFFFF0];
	v10 =	vmul.f32 v10, v10  }
0x4f: {  	v5 =	vadd.f32 v14, v5;
	v9 =	vadd.f32 v15, v9;
	v11 =	vld [tilespmem:s26+$0x0];
	v1 =	vmov v13  }
0x50: {  	v7 =	vadd.f32 v12, v7;
	v13 =	vld [tilespmem:s26+$0x10];
	v8 =	vadd.f32 v10, v8  }
0x51: {  	v10 =	vld [tilespmem:s26+$0xFFFFFFC0]  }
0x52: {  	v12 =	vld [tilespmem:s26+$0xFFFFFFD0]  }
0x53: {  	v15 =	vld [tilespmem:s26+$0xFFFFFFE0]  }
0x54: {  	s28 =	sadd.s32 $0x80, s28;
	v18 =	vld [tilespmem:s26+$0xFFFFFFF0]  }
0x55: {  	p0 =	slt.u32 s28, $0xF80;
	v20 =	vld [tilespmem:s26+$0x20]  }
0x56: {  	v21 =	vld [tilespmem:s26+$0x30]  }
0x57: {  	v22 =	vld.idx.msk [tilespmem:v11+s18+$0x0], $0xffff  }
0x58: {  	v13 =	vld.idx.msk [tilespmem:v13+s18+$0x0], $0xffff  }
0x59: {  	v17 =	vld.idx.msk [tilespmem:v10+s18+$0x0], $0xffff  }
0x5a: {  	v14 =	vld.idx.msk [tilespmem:v12+s18+$0x0], $0xffff  }
.Ltmp2:
0x5b: {  	v16 =	vld.idx.msk [tilespmem:v15+s18+$0x0], $0xffff;
	(pc) =	sbr.rel @p0 .LBB2_6-.Ltmp2, $4  }
0x5c: {  	v15 =	vld.idx.msk [tilespmem:v18+s18+$0x0], $0xffff  }
0x5d: {  	v11 =	vld.idx.msk [tilespmem:v20+s18+$0x0], $0xffff  }
0x5e: {  	v10 =	vld.idx.msk [tilespmem:v21+s18+$0x0], $0xffff  }
0x5f: {  	v18 =	vsub.f32 v19, v22;
	v12 =	vld [tilespmem:s29+$0x30];
	s29 =	sadd.s32 $0x100, s29  }
0x60: {  	v2 =	vsub.f32 v2, v17;
	v0 =	vsub.f32 v0, v13  }
0x61: {  	v3 =	vsub.f32 v3, v14;
	v4 =	vsub.f32 v4, v16  }
0x62: {  	v6 =	vsub.f32 v6, v15;
	v61 =	vmul.f32 v18, v18;
	v62 =	vmul.f32 v0, v0  }
0x63: {  	v0 =	vmul.f32 v2, v2;
	v2 =	vmul.f32 v3, v3;
	v1 =	vsub.f32 v1, v11  }
0x64: {  	v3 =	vmul.f32 v4, v4;
	v4 =	vmul.f32 v6, v6;
	v63 =	vsub.f32 v12, v10  }
0x65: {  	v0 =	vadd.f32 v0, v5;
	v2 =	vadd.f32 v2, v9;
	v5 =	vmul.f32 v1, v1  }
0x66: {  	_ =	swait.ge [sflag:s22], $0x1000;
	v3 =	vadd.f32 v3, v7;
	v4 =	vadd.f32 v4, v8;
	v6 =	vmul.f32 v63, v63  }
0x67: {  	[sflag:s22] =	ssyncset.done $0x0;
	v0 =	vadd.f32 v61, v0;
	v1 =	vadd.f32 v62, v2  }
0x68: {  	s26 =	simm.s32 $0x0;
	s28 =	simm.s32 $0x4000;
	[sflag:s22] =	ssyncadd.s32 $0xFFFFF000;
	v2 =	vadd.f32 v5, v3;
	v3 =	vadd.f32 v6, v4  }
.LBB2_8:
0x69: {  	p0 =	sne.s32 s26, $0xF80  }
.Ltmp3:
0x6a: {  	_ = 	snop;
	(pc) =	sbr.rel @p0 .LBB2_8-.Ltmp3, $4  }
0x6b: {  	_ = 	snop  }
0x6c: {  	s29 =	sadd.s32 s26, s7  }
0x6d: {  	[tilespmem:s28], [sflag:$0x3] =	stream.linear.gather [hbm4b:s29+s3], $0x80, $0x38;
	[tilespmem:$0x1E780] =	vst v63  }
0x6e: {  	s26 =	sadd.s32 $0x80, s26;
	s28 =	sadd.s32 $0x100, s28  }
0x6f: {  	s29 =	simm.s32 $0x40F0  }
0x70: {  	v12 =	vld [tilespmem:s29+$0xFFFFFFD0]  }
0x71: {  	v4 =	vld [tilespmem:s29+$0xFFFFFFE0]  }
0x72: {  	v5 =	vld [tilespmem:s29+$0xFFFFFFF0]  }
0x73: {  	v6 =	vld [tilespmem:s29+$0xFFFFFF90]  }
0x74: {  	v7 =	vld [tilespmem:s29+$0xFFFFFFA0]  }
0x75: {  	v8 =	vld [tilespmem:s29+$0xFFFFFFB0]  }
0x76: {  	s26 =	simm.s32 $0x1070;
	v9 =	vld [tilespmem:s29+$0xFFFFFFC0]  }
0x77: {  	v10 =	vld [tilespmem:s26+$0xFFFFFFD0]  }
0x78: {  	v11 =	vld [tilespmem:s26+$0xFFFFFFE0]  }
0x79: {  	v14 =	vld [tilespmem:s26+$0xFFFFFF90]  }
0x7a: {  	v15 =	vld [tilespmem:s26+$0xFFFFFFA0]  }
0x7b: {  	v16 =	vld [tilespmem:s26+$0xFFFFFFB0]  }
0x7c: {  	v18 =	vld [tilespmem:s26+$0xFFFFFFC0]  }
0x7d: {  	v19 =	vld [tilespmem:s26+$0xFFFFFFF0]  }
0x7e: {  	v20 =	vld [tilespmem:s26+$0x0]  }
0x7f: {  	v21 =	vld.idx.msk [tilespmem:v10+s18+$0x0], $0xffff  }
0x80: {  	v13 =	vld.idx.msk [tilespmem:v11+s18+$0x0], $0xffff  }
0x81: {  	v17 =	vld.idx.msk [tilespmem:v14+s18+$0x0], $0xffff  }
0x82: {  	v14 =	vld.idx.msk [tilespmem:v15+s18+$0x0], $0xffff  }
0x83: {  	v16 =	vld.idx.msk [tilespmem:v16+s18+$0x0], $0xffff  }
0x84: {  	v15 =	vld.idx.msk [tilespmem:v18+s18+$0x0], $0xffff  }
0x85: {  	v11 =	vld.idx.msk [tilespmem:v19+s18+$0x0], $0xffff  }
0x86: {  	v10 =	vld.idx.msk [tilespmem:v20+s18+$0x0], $0xffff  }
0x87: {  	s28 =	simm.s32 $0x0;
	v18 =	vsub.f32 v12, v21;
	v12 =	vld [tilespmem:s29+$0x0];
	s29 =	simm.s32 $0x41F0  }
.LBB2_10:
0x88: {  	v19 =	vld [tilespmem:s29+$0xFFFFFFD0];
	v17 =	vsub.f32 v6, v17;
	v6 =	vsub.f32 v4, v13  }
0x89: {  	v7 =	vsub.f32 v7, v14;
	v8 =	vsub.f32 v8, v16;
	v4 =	vld [tilespmem:s29+$0xFFFFFFE0]  }
0x8a: {  	v9 =	vsub.f32 v9, v15;
	v14 =	vmul.f32 v18, v18;
	v13 =	vld [tilespmem:s29+$0xFFFFFFF0];
	v15 =	vmul.f32 v6, v6  }
0x8b: {  	v16 =	vmul.f32 v17, v17;
	v17 =	vmul.f32 v7, v7;
	v5 =	vsub.f32 v5, v11;
	v6 =	vld [tilespmem:s29+$0xFFFFFF90]  }
0x8c: {  	v11 =	vmul.f32 v8, v8;
	v18 =	vmul.f32 v9, v9;
	v7 =	vld [tilespmem:s29+$0xFFFFFFA0];
	v10 =	vsub.f32 v12, v10  }
0x8d: {  	v0 =	vadd.f32 v16, v0;
	v1 =	vadd.f32 v17, v1;
	v12 =	vmul.f32 v5, v5;
	v8 =	vld [tilespmem:s29+$0xFFFFFFB0]  }
0x8e: {  	s26 =	sadd.s32 $0x80, s26;
	v2 =	vadd.f32 v11, v2;
	v3 =	vadd.f32 v18, v3;
	v9 =	vld [tilespmem:s29+$0xFFFFFFC0];
	v10 =	vmul.f32 v10, v10  }
0x8f: {  	v0 =	vadd.f32 v14, v0;
	v1 =	vadd.f32 v15, v1;
	v11 =	vld [tilespmem:s26+$0xFFFFFFD0];
	v5 =	vmov v13  }
0x90: {  	v2 =	vadd.f32 v12, v2;
	v13 =	vld [tilespmem:s26+$0xFFFFFFE0];
	v3 =	vadd.f32 v10, v3  }
0x91: {  	v10 =	vld [tilespmem:s26+$0xFFFFFF90]  }
0x92: {  	v12 =	vld [tilespmem:s26+$0xFFFFFFA0]  }
0x93: {  	v15 =	vld [tilespmem:s26+$0xFFFFFFB0]  }
0x94: {  	s28 =	sadd.s32 $0x80, s28;
	v18 =	vld [tilespmem:s26+$0xFFFFFFC0]  }
0x95: {  	p0 =	slt.u32 s28, $0xF80;
	v20 =	vld [tilespmem:s26+$0xFFFFFFF0]  }
0x96: {  	v21 =	vld [tilespmem:s26+$0x0]  }
0x97: {  	v22 =	vld.idx.msk [tilespmem:v11+s18+$0x0], $0xffff  }
0x98: {  	v13 =	vld.idx.msk [tilespmem:v13+s18+$0x0], $0xffff  }
0x99: {  	v17 =	vld.idx.msk [tilespmem:v10+s18+$0x0], $0xffff  }
0x9a: {  	v14 =	vld.idx.msk [tilespmem:v12+s18+$0x0], $0xffff  }
.Ltmp4:
0x9b: {  	v16 =	vld.idx.msk [tilespmem:v15+s18+$0x0], $0xffff;
	(pc) =	sbr.rel @p0 .LBB2_10-.Ltmp4, $4  }
0x9c: {  	v15 =	vld.idx.msk [tilespmem:v18+s18+$0x0], $0xffff  }
0x9d: {  	v11 =	vld.idx.msk [tilespmem:v20+s18+$0x0], $0xffff  }
0x9e: {  	v10 =	vld.idx.msk [tilespmem:v21+s18+$0x0], $0xffff  }
0x9f: {  	v18 =	vsub.f32 v19, v22;
	v12 =	vld [tilespmem:s29+$0x0];
	s29 =	sadd.s32 $0x100, s29  }
0xa0: {  	v6 =	vsub.f32 v6, v17;
	v4 =	vsub.f32 v4, v13  }
0xa1: {  	v7 =	vsub.f32 v7, v14;
	v8 =	vsub.f32 v8, v16  }
0xa2: {  	v9 =	vsub.f32 v9, v15;
	v62 =	vmul.f32 v18, v18;
	v4 =	vmul.f32 v4, v4  }
0xa3: {  	v6 =	vmul.f32 v6, v6;
	v7 =	vmul.f32 v7, v7;
	v5 =	vsub.f32 v5, v11  }
0xa4: {  	v8 =	vmul.f32 v8, v8;
	v9 =	vmul.f32 v9, v9;
	v10 =	vsub.f32 v12, v10  }
0xa5: {  	v0 =	vadd.f32 v6, v0;
	v1 =	vadd.f32 v7, v1;
	v5 =	vmul.f32 v5, v5  }
0xa6: {  	_ =	swait.ge [sflag:s20], $0x1000;
	v2 =	vadd.f32 v8, v2;
	v3 =	vadd.f32 v9, v3;
	v63 =	vmul.f32 v10, v10  }
0xa7: {  	[sflag:s20] =	ssyncset.done $0x0;
	v0 =	vadd.f32 v62, v0;
	v1 =	vadd.f32 v4, v1  }
0xa8: {  	s26 =	simm.s32 $0x0;
	s28 =	simm.s32 $0x4080;
	[sflag:s20] =	ssyncadd.s32 $0xFFFFF000;
	v2 =	vadd.f32 v5, v2;
	v3 =	vadd.f32 v63, v3  }
.LBB2_12:
0xa9: {  	p0 =	sne.s32 s26, $0xF80  }
.Ltmp5:
0xaa: {  	_ = 	snop;
	(pc) =	sbr.rel @p0 .LBB2_12-.Ltmp5, $4  }
0xab: {  	_ = 	snop  }
0xac: {  	s29 =	sadd.s32 s26, s8  }
0xad: {  	[tilespmem:s28], [sflag:$0x4] =	stream.linear.gather [hbm4b:s29+s3], $0x80, $0x38;
	[tilespmem:$0x1E780] =	vst v63  }
0xae: {  	s26 =	sadd.s32 $0x80, s26;
	s28 =	sadd.s32 $0x100, s28  }
0xaf: {  	s29 =	simm.s32 $0x4040  }
0xb0: {  	v12 =	vld [tilespmem:s29+$0x0]  }
0xb1: {  	v4 =	vld [tilespmem:s29+$0x10]  }
0xb2: {  	v5 =	vld [tilespmem:s29+$0x20]  }
0xb3: {  	v6 =	vld [tilespmem:s29+$0xFFFFFFC0]  }
0xb4: {  	v7 =	vld [tilespmem:s29+$0xFFFFFFD0]  }
0xb5: {  	v8 =	vld [tilespmem:s29+$0xFFFFFFE0]  }
0xb6: {  	s26 =	simm.s32 $0x2070;
	v9 =	vld [tilespmem:s29+$0xFFFFFFF0]  }
0xb7: {  	v10 =	vld [tilespmem:s26+$0xFFFFFFD0]  }
0xb8: {  	v11 =	vld [tilespmem:s26+$0xFFFFFFE0]  }
0xb9: {  	v14 =	vld [tilespmem:s26+$0xFFFFFF90]  }
0xba: {  	v15 =	vld [tilespmem:s26+$0xFFFFFFA0]  }
0xbb: {  	v16 =	vld [tilespmem:s26+$0xFFFFFFB0]  }
0xbc: {  	v18 =	vld [tilespmem:s26+$0xFFFFFFC0]  }
0xbd: {  	v19 =	vld [tilespmem:s26+$0xFFFFFFF0]  }
0xbe: {  	v20 =	vld [tilespmem:s26+$0x0]  }
0xbf: {  	v21 =	vld.idx.msk [tilespmem:v10+s18+$0x0], $0xffff  }
0xc0: {  	v13 =	vld.idx.msk [tilespmem:v11+s18+$0x0], $0xffff  }
0xc1: {  	v17 =	vld.idx.msk [tilespmem:v14+s18+$0x0], $0xffff  }
0xc2: {  	v14 =	vld.idx.msk [tilespmem:v15+s18+$0x0], $0xffff  }
0xc3: {  	v16 =	vld.idx.msk [tilespmem:v16+s18+$0x0], $0xffff  }
0xc4: {  	v15 =	vld.idx.msk [tilespmem:v18+s18+$0x0], $0xffff  }
0xc5: {  	v11 =	vld.idx.msk [tilespmem:v19+s18+$0x0], $0xffff  }
0xc6: {  	v10 =	vld.idx.msk [tilespmem:v20+s18+$0x0], $0xffff  }
0xc7: {  	s28 =	simm.s32 $0x0;
	v18 =	vsub.f32 v12, v21;
	v12 =	vld [tilespmem:s29+$0x30];
	s29 =	simm.s32 $0x4140  }
.LBB2_14:
0xc8: {  	v19 =	vld [tilespmem:s29+$0x0];
	v17 =	vsub.f32 v6, v17;
	v6 =	vsub.f32 v4, v13  }
0xc9: {  	v7 =	vsub.f32 v7, v14;
	v8 =	vsub.f32 v8, v16;
	v4 =	vld [tilespmem:s29+$0x10]  }
0xca: {  	v9 =	vsub.f32 v9, v15;
	v14 =	vmul.f32 v18, v18;
	v13 =	vld [tilespmem:s29+$0x20];
	v15 =	vmul.f32 v6, v6  }
0xcb: {  	v16 =	vmul.f32 v17, v17;
	v17 =	vmul.f32 v7, v7;
	v5 =	vsub.f32 v5, v11;
	v6 =	vld [tilespmem:s29+$0xFFFFFFC0]  }
0xcc: {  	v11 =	vmul.f32 v8, v8;
	v18 =	vmul.f32 v9, v9;
	v7 =	vld [tilespmem:s29+$0xFFFFFFD0];
	v10 =	vsub.f32 v12, v10  }
0xcd: {  	v0 =	vadd.f32 v16, v0;
	v1 =	vadd.f32 v17, v1;
	v12 =	vmul.f32 v5, v5;
	v8 =	vld [tilespmem:s29+$0xFFFFFFE0]  }
0xce: {  	s26 =	sadd.s32 $0x80, s26;
	v2 =	vadd.f32 v11, v2;
	v3 =	vadd.f32 v18, v3;
	v9 =	vld [tilespmem:s29+$0xFFFFFFF0];
	v10 =	vmul.f32 v10, v10  }
0xcf: {  	v0 =	vadd.f32 v14, v0;
	v1 =	vadd.f32 v15, v1;
	v11 =	vld [tilespmem:s26+$0xFFFFFFD0];
	v5 =	vmov v13  }
0xd0: {  	v2 =	vadd.f32 v12, v2;
	v13 =	vld [tilespmem:s26+$0xFFFFFFE0];
	v3 =	vadd.f32 v10, v3  }
0xd1: {  	v10 =	vld [tilespmem:s26+$0xFFFFFF90]  }
0xd2: {  	v12 =	vld [tilespmem:s26+$0xFFFFFFA0]  }
0xd3: {  	v15 =	vld [tilespmem:s26+$0xFFFFFFB0]  }
0xd4: {  	s28 =	sadd.s32 $0x80, s28;
	v18 =	vld [tilespmem:s26+$0xFFFFFFC0]  }
0xd5: {  	p0 =	slt.u32 s28, $0xF80;
	v20 =	vld [tilespmem:s26+$0xFFFFFFF0]  }
0xd6: {  	v21 =	vld [tilespmem:s26+$0x0]  }
0xd7: {  	v22 =	vld.idx.msk [tilespmem:v11+s18+$0x0], $0xffff  }
0xd8: {  	v13 =	vld.idx.msk [tilespmem:v13+s18+$0x0], $0xffff  }
0xd9: {  	v17 =	vld.idx.msk [tilespmem:v10+s18+$0x0], $0xffff  }
0xda: {  	v14 =	vld.idx.msk [tilespmem:v12+s18+$0x0], $0xffff  }
.Ltmp6:
0xdb: {  	v16 =	vld.idx.msk [tilespmem:v15+s18+$0x0], $0xffff;
	(pc) =	sbr.rel @p0 .LBB2_14-.Ltmp6, $4  }
0xdc: {  	v15 =	vld.idx.msk [tilespmem:v18+s18+$0x0], $0xffff  }
0xdd: {  	v11 =	vld.idx.msk [tilespmem:v20+s18+$0x0], $0xffff  }
0xde: {  	v10 =	vld.idx.msk [tilespmem:v21+s18+$0x0], $0xffff  }
0xdf: {  	v18 =	vsub.f32 v19, v22;
	v12 =	vld [tilespmem:s29+$0x30];
	s29 =	sadd.s32 $0x100, s29  }
0xe0: {  	v6 =	vsub.f32 v6, v17;
	v4 =	vsub.f32 v4, v13  }
0xe1: {  	v7 =	vsub.f32 v7, v14;
	v8 =	vsub.f32 v8, v16  }
0xe2: {  	v9 =	vsub.f32 v9, v15;
	v60 =	vmul.f32 v18, v18;
	v4 =	vmul.f32 v4, v4  }
0xe3: {  	v6 =	vmul.f32 v6, v6;
	v7 =	vmul.f32 v7, v7;
	v5 =	vsub.f32 v5, v11  }
0xe4: {  	v8 =	vmul.f32 v8, v8;
	v9 =	vmul.f32 v9, v9;
	v10 =	vsub.f32 v12, v10  }
0xe5: {  	v0 =	vadd.f32 v6, v0;
	v1 =	vadd.f32 v7, v1;
	v5 =	vmul.f32 v5, v5  }
0xe6: {  	_ =	swait.ge [sflag:s22], $0x1000;
	v61 =	vadd.f32 v8, v2;
	v62 =	vadd.f32 v9, v3;
	v63 =	vmul.f32 v10, v10  }
0xe7: {  	[sflag:s22] =	ssyncset.done $0x0;
	v2 =	vadd.f32 v60, v0;
	v3 =	vadd.f32 v4, v1  }
0xe8: {  	s26 =	simm.s32 $0x0;
	s28 =	simm.s32 $0x4000;
	[sflag:s22] =	ssyncadd.s32 $0xFFFFF000;
	v0 =	vadd.f32 v5, v61;
	v1 =	vadd.f32 v63, v62  }
.LBB2_16:
0xe9: {  	p0 =	sne.s32 s26, $0xF80  }
.Ltmp7:
0xea: {  	_ = 	snop;
	(pc) =	sbr.rel @p0 .LBB2_16-.Ltmp7, $4  }
0xeb: {  	_ = 	snop  }
0xec: {  	s29 =	sadd.s32 s26, s9  }
0xed: {  	[tilespmem:s28], [sflag:$0x3] =	stream.linear.gather [hbm4b:s29+s3], $0x80, $0x38;
	[tilespmem:$0x1E780] =	vst v63  }
0xee: {  	s26 =	sadd.s32 $0x80, s26;
	s28 =	sadd.s32 $0x100, s28  }
0xef: {  	s29 =	simm.s32 $0x40F0  }
0xf0: {  	v12 =	vld [tilespmem:s29+$0xFFFFFFD0]  }
0xf1: {  	v4 =	vld [tilespmem:s29+$0xFFFFFFE0]  }
0xf2: {  	v5 =	vld [tilespmem:s29+$0xFFFFFFF0]  }
0xf3: {  	v6 =	vld [tilespmem:s29+$0xFFFFFF90]  }
0xf4: {  	v7 =	vld [tilespmem:s29+$0xFFFFFFA0]  }
0xf5: {  	v8 =	vld [tilespmem:s29+$0xFFFFFFB0]  }
0xf6: {  	s26 =	simm.s32 $0x3070;
	v9 =	vld [tilespmem:s29+$0xFFFFFFC0]  }
0xf7: {  	v10 =	vld [tilespmem:s26+$0xFFFFFFD0]  }
0xf8: {  	v11 =	vld [tilespmem:s26+$0xFFFFFFE0]  }
0xf9: {  	v14 =	vld [tilespmem:s26+$0xFFFFFF90]  }
0xfa: {  	v15 =	vld [tilespmem:s26+$0xFFFFFFA0]  }
0xfb: {  	v16 =	vld [tilespmem:s26+$0xFFFFFFB0]  }
0xfc: {  	v18 =	vld [tilespmem:s26+$0xFFFFFFC0]  }
0xfd: {  	v19 =	vld [tilespmem:s26+$0xFFFFFFF0]  }
0xfe: {  	v20 =	vld [tilespmem:s26+$0x0]  }
0xff: {  	v21 =	vld.idx.msk [tilespmem:v10+s18+$0x0], $0xffff  }
0x100: {  	v13 =	vld.idx.msk [tilespmem:v11+s18+$0x0], $0xffff  }
0x101: {  	v17 =	vld.idx.msk [tilespmem:v14+s18+$0x0], $0xffff  }
0x102: {  	v14 =	vld.idx.msk [tilespmem:v15+s18+$0x0], $0xffff  }
0x103: {  	v16 =	vld.idx.msk [tilespmem:v16+s18+$0x0], $0xffff  }
0x104: {  	v15 =	vld.idx.msk [tilespmem:v18+s18+$0x0], $0xffff  }
0x105: {  	v11 =	vld.idx.msk [tilespmem:v19+s18+$0x0], $0xffff  }
0x106: {  	v10 =	vld.idx.msk [tilespmem:v20+s18+$0x0], $0xffff  }
0x107: {  	s28 =	simm.s32 $0x0;
	v18 =	vsub.f32 v12, v21;
	v12 =	vld [tilespmem:s29+$0x0];
	s29 =	simm.s32 $0x41F0  }
.LBB2_18:
0x108: {  	v19 =	vld [tilespmem:s29+$0xFFFFFFD0];
	v17 =	vsub.f32 v6, v17;
	v6 =	vsub.f32 v4, v13  }
0x109: {  	v7 =	vsub.f32 v7, v14;
	v8 =	vsub.f32 v8, v16;
	v4 =	vld [tilespmem:s29+$0xFFFFFFE0]  }
0x10a: {  	v9 =	vsub.f32 v9, v15;
	v14 =	vmul.f32 v18, v18;
	v13 =	vld [tilespmem:s29+$0xFFFFFFF0];
	v15 =	vmul.f32 v6, v6  }
0x10b: {  	v16 =	vmul.f32 v17, v17;
	v17 =	vmul.f32 v7, v7;
	v5 =	vsub.f32 v5, v11;
	v6 =	vld [tilespmem:s29+$0xFFFFFF90]  }
0x10c: {  	v11 =	vmul.f32 v8, v8;
	v18 =	vmul.f32 v9, v9;
	v7 =	vld [tilespmem:s29+$0xFFFFFFA0];
	v10 =	vsub.f32 v12, v10  }
0x10d: {  	v2 =	vadd.f32 v16, v2;
	v3 =	vadd.f32 v17, v3;
	v12 =	vmul.f32 v5, v5;
	v8 =	vld [tilespmem:s29+$0xFFFFFFB0]  }
0x10e: {  	s26 =	sadd.s32 $0x80, s26;
	v0 =	vadd.f32 v11, v0;
	v1 =	vadd.f32 v18, v1;
	v9 =	vld [tilespmem:s29+$0xFFFFFFC0];
	v10 =	vmul.f32 v10, v10  }
0x10f: {  	v2 =	vadd.f32 v14, v2;
	v3 =	vadd.f32 v15, v3;
	v11 =	vld [tilespmem:s26+$0xFFFFFFD0];
	v5 =	vmov v13  }
0x110: {  	v0 =	vadd.f32 v12, v0;
	v13 =	vld [tilespmem:s26+$0xFFFFFFE0];
	v1 =	vadd.f32 v10, v1  }
0x111: {  	v10 =	vld [tilespmem:s26+$0xFFFFFF90]  }
0x112: {  	v12 =	vld [tilespmem:s26+$0xFFFFFFA0]  }
0x113: {  	v15 =	vld [tilespmem:s26+$0xFFFFFFB0]  }
0x114: {  	s28 =	sadd.s32 $0x80, s28;
	v18 =	vld [tilespmem:s26+$0xFFFFFFC0]  }
0x115: {  	p0 =	slt.u32 s28, $0xF80;
	v20 =	vld [tilespmem:s26+$0xFFFFFFF0]  }
0x116: {  	v21 =	vld [tilespmem:s26+$0x0]  }
0x117: {  	v22 =	vld.idx.msk [tilespmem:v11+s18+$0x0], $0xffff  }
0x118: {  	v13 =	vld.idx.msk [tilespmem:v13+s18+$0x0], $0xffff  }
0x119: {  	v17 =	vld.idx.msk [tilespmem:v10+s18+$0x0], $0xffff  }
0x11a: {  	v14 =	vld.idx.msk [tilespmem:v12+s18+$0x0], $0xffff  }
.Ltmp8:
0x11b: {  	v16 =	vld.idx.msk [tilespmem:v15+s18+$0x0], $0xffff;
	(pc) =	sbr.rel @p0 .LBB2_18-.Ltmp8, $4  }
0x11c: {  	v15 =	vld.idx.msk [tilespmem:v18+s18+$0x0], $0xffff  }
0x11d: {  	v11 =	vld.idx.msk [tilespmem:v20+s18+$0x0], $0xffff  }
0x11e: {  	v10 =	vld.idx.msk [tilespmem:v21+s18+$0x0], $0xffff  }
0x11f: {  	v18 =	vsub.f32 v19, v22;
	v12 =	vld [tilespmem:s29+$0x0];
	s29 =	sadd.s32 $0x100, s29  }
0x120: {  	v6 =	vsub.f32 v6, v17;
	v4 =	vsub.f32 v4, v13  }
0x121: {  	v7 =	vsub.f32 v7, v14;
	v8 =	vsub.f32 v8, v16  }
0x122: {  	v9 =	vsub.f32 v9, v15;
	v60 =	vmul.f32 v18, v18;
	v4 =	vmul.f32 v4, v4  }
0x123: {  	v6 =	vmul.f32 v6, v6;
	v7 =	vmul.f32 v7, v7;
	v5 =	vsub.f32 v5, v11  }
0x124: {  	v8 =	vmul.f32 v8, v8;
	v9 =	vmul.f32 v9, v9;
	v10 =	vsub.f32 v12, v10  }
0x125: {  	[tilespmem:s18], [sflag:$0x2] =	stream.strided.gather [hbm4b:s10+s16], $0x18700, s17, s16, $0x38;
	v2 =	vadd.f32 v6, v2;
	v3 =	vadd.f32 v7, v3;
	v5 =	vmul.f32 v5, v5;
	[tilespmem:$0x1E780] =	vst v63  }
0x126: {  	_ =	swait.ge [sflag:s20], $0x1000;
	v61 =	vadd.f32 v8, v0;
	v62 =	vadd.f32 v9, v1;
	v63 =	vmul.f32 v10, v10  }
0x127: {  	s26 =	simm.s32 $0x4080;
	s28 =	simm.s32 $0x80;
	[sflag:s20] =	ssyncset.done $0x0;
	v0 =	vadd.f32 v60, v2;
	v1 =	vadd.f32 v4, v3  }
0x128: {  	s30 =	sadd.s32 $0x0, s11;
	s29 =	simm.s32 $0x4180;
	[sflag:s20] =	ssyncadd.s32 $0xFFFFF000;
	v2 =	vadd.f32 v5, v61;
	v3 =	vadd.f32 v63, v62  }
.LBB2_20:
0x129: {  	[tilespmem:s26], [sflag:$0x4] =	stream.linear.gather [hbm4b:s30+s3], $0x80, $0x38;
	[tilespmem:$0x1E780] =	vst v63  }
0x12a: {  	s30 =	smov.u32 s28;
	s26 =	smov.u32 s29;
	p0 =	sne.s32 s28, $0xF80  }
.Ltmp9:
0x12b: {  	s28 =	sadd.s32 $0x80, s28;
	(pc) =	sbr.rel @p0 .LBB2_20-.Ltmp9, $2  }
0x12c: {  	_ =	sdelay $0x2  }
0x12d: {  	s29 =	sadd.s32 $0x100, s29;
	s30 =	sadd.s32 s30, s11  }
0x12e: {  	[tilespmem:s26], [sflag:$0x4] =	stream.linear.gather [hbm4b:s30+s3], $0x80, $0x38;
	[tilespmem:$0x1E780] =	vst v63  }
0x12f: {  	_ =	swait.ge [sflag:s21], $0x18700  }
0x130: {  	[sflag:s21] =	ssyncset.done $0x0  }
0x131: {  	s29 =	simm.s32 $0x4040;
	[sflag:s21] =	ssyncadd.s32 $0xFFFE7900  }
0x132: {  	v12 =	vld [tilespmem:s29+$0x0]  }
0x133: {  	v4 =	vld [tilespmem:s29+$0x10]  }
0x134: {  	v5 =	vld [tilespmem:s29+$0x20]  }
0x135: {  	v6 =	vld [tilespmem:s29+$0xFFFFFFC0]  }
0x136: {  	v7 =	vld [tilespmem:s29+$0xFFFFFFD0]  }
0x137: {  	v8 =	vld [tilespmem:s29+$0xFFFFFFE0]  }
0x138: {  	s26 =	simm.s32 $0x40;
	v9 =	vld [tilespmem:s29+$0xFFFFFFF0]  }
0x139: {  	v10 =	vld [tilespmem:s26+$0x0]  }
0x13a: {  	v11 =	vld [tilespmem:s26+$0x10]  }
0x13b: {  	v14 =	vld [tilespmem:s26+$0xFFFFFFC0]  }
0x13c: {  	v15 =	vld [tilespmem:s26+$0xFFFFFFD0]  }
0x13d: {  	v16 =	vld [tilespmem:s26+$0xFFFFFFE0]  }
0x13e: {  	v18 =	vld [tilespmem:s26+$0xFFFFFFF0]  }
0x13f: {  	v19 =	vld [tilespmem:s26+$0x20]  }
0x140: {  	v20 =	vld [tilespmem:s26+$0x30]  }
0x141: {  	v21 =	vld.idx.msk [tilespmem:v10+s18+$0x0], $0xffff  }
0x142: {  	v13 =	vld.idx.msk [tilespmem:v11+s18+$0x0], $0xffff  }
0x143: {  	v17 =	vld.idx.msk [tilespmem:v14+s18+$0x0], $0xffff  }
0x144: {  	v14 =	vld.idx.msk [tilespmem:v15+s18+$0x0], $0xffff  }
0x145: {  	v16 =	vld.idx.msk [tilespmem:v16+s18+$0x0], $0xffff  }
0x146: {  	v15 =	vld.idx.msk [tilespmem:v18+s18+$0x0], $0xffff  }
0x147: {  	v11 =	vld.idx.msk [tilespmem:v19+s18+$0x0], $0xffff  }
0x148: {  	v10 =	vld.idx.msk [tilespmem:v20+s18+$0x0], $0xffff  }
0x149: {  	s28 =	simm.s32 $0x0;
	v18 =	vsub.f32 v12, v21;
	v12 =	vld [tilespmem:s29+$0x30];
	s29 =	simm.s32 $0x4140  }
.LBB2_22:
0x14a: {  	v19 =	vld [tilespmem:s29+$0x0];
	v17 =	vsub.f32 v6, v17;
	v6 =	vsub.f32 v4, v13  }
0x14b: {  	v7 =	vsub.f32 v7, v14;
	v8 =	vsub.f32 v8, v16;
	v4 =	vld [tilespmem:s29+$0x10]  }
0x14c: {  	v9 =	vsub.f32 v9, v15;
	v14 =	vmul.f32 v18, v18;
	v13 =	vld [tilespmem:s29+$0x20];
	v15 =	vmul.f32 v6, v6  }
0x14d: {  	v16 =	vmul.f32 v17, v17;
	v17 =	vmul.f32 v7, v7;
	v5 =	vsub.f32 v5, v11;
	v6 =	vld [tilespmem:s29+$0xFFFFFFC0]  }
0x14e: {  	v11 =	vmul.f32 v8, v8;
	v18 =	vmul.f32 v9, v9;
	v7 =	vld [tilespmem:s29+$0xFFFFFFD0];
	v10 =	vsub.f32 v12, v10  }
0x14f: {  	v0 =	vadd.f32 v16, v0;
	v1 =	vadd.f32 v17, v1;
	v12 =	vmul.f32 v5, v5;
	v8 =	vld [tilespmem:s29+$0xFFFFFFE0]  }
0x150: {  	s26 =	sadd.s32 $0x80, s26;
	v2 =	vadd.f32 v11, v2;
	v3 =	vadd.f32 v18, v3;
	v9 =	vld [tilespmem:s29+$0xFFFFFFF0];
	v10 =	vmul.f32 v10, v10  }
0x151: {  	v0 =	vadd.f32 v14, v0;
	v1 =	vadd.f32 v15, v1;
	v11 =	vld [tilespmem:s26+$0x0];
	v5 =	vmov v13  }
0x152: {  	v2 =	vadd.f32 v12, v2;
	v13 =	vld [tilespmem:s26+$0x10];
	v3 =	vadd.f32 v10, v3  }
0x153: {  	v10 =	vld [tilespmem:s26+$0xFFFFFFC0]  }
0x154: {  	v12 =	vld [tilespmem:s26+$0xFFFFFFD0]  }
0x155: {  	v15 =	vld [tilespmem:s26+$0xFFFFFFE0]  }
0x156: {  	s28 =	sadd.s32 $0x80, s28;
	v18 =	vld [tilespmem:s26+$0xFFFFFFF0]  }
0x157: {  	p0 =	slt.u32 s28, $0xF80;
	v20 =	vld [tilespmem:s26+$0x20]  }
0x158: {  	v21 =	vld [tilespmem:s26+$0x30]  }
0x159: {  	v22 =	vld.idx.msk [tilespmem:v11+s18+$0x0], $0xffff  }
0x15a: {  	v13 =	vld.idx.msk [tilespmem:v13+s18+$0x0], $0xffff  }
0x15b: {  	v17 =	vld.idx.msk [tilespmem:v10+s18+$0x0], $0xffff  }
0x15c: {  	v14 =	vld.idx.msk [tilespmem:v12+s18+$0x0], $0xffff  }
.Ltmp10:
0x15d: {  	v16 =	vld.idx.msk [tilespmem:v15+s18+$0x0], $0xffff;
	(pc) =	sbr.rel @p0 .LBB2_22-.Ltmp10, $4  }
0x15e: {  	v15 =	vld.idx.msk [tilespmem:v18+s18+$0x0], $0xffff  }
0x15f: {  	v11 =	vld.idx.msk [tilespmem:v20+s18+$0x0], $0xffff  }
0x160: {  	v10 =	vld.idx.msk [tilespmem:v21+s18+$0x0], $0xffff  }
0x161: {  	v18 =	vsub.f32 v19, v22;
	v12 =	vld [tilespmem:s29+$0x30];
	s29 =	sadd.s32 $0x100, s29  }
0x162: {  	v6 =	vsub.f32 v6, v17;
	v4 =	vsub.f32 v4, v13  }
0x163: {  	v7 =	vsub.f32 v7, v14;
	v8 =	vsub.f32 v8, v16  }
0x164: {  	v9 =	vsub.f32 v9, v15;
	v62 =	vmul.f32 v18, v18;
	v4 =	vmul.f32 v4, v4  }
0x165: {  	v6 =	vmul.f32 v6, v6;
	v7 =	vmul.f32 v7, v7;
	v5 =	vsub.f32 v5, v11  }
0x166: {  	v8 =	vmul.f32 v8, v8;
	v9 =	vmul.f32 v9, v9;
	v10 =	vsub.f32 v12, v10  }
0x167: {  	v0 =	vadd.f32 v6, v0;
	v1 =	vadd.f32 v7, v1;
	v5 =	vmul.f32 v5, v5  }
0x168: {  	_ =	swait.ge [sflag:s22], $0x1000;
	v2 =	vadd.f32 v8, v2;
	v3 =	vadd.f32 v9, v3;
	v63 =	vmul.f32 v10, v10  }
0x169: {  	[sflag:s22] =	ssyncset.done $0x0;
	v0 =	vadd.f32 v62, v0;
	v1 =	vadd.f32 v4, v1  }
0x16a: {  	s26 =	simm.s32 $0x0;
	s28 =	simm.s32 $0x4000;
	[sflag:s22] =	ssyncadd.s32 $0xFFFFF000;
	v2 =	vadd.f32 v5, v2;
	v3 =	vadd.f32 v63, v3  }
.LBB2_24:
0x16b: {  	p0 =	sne.s32 s26, $0xF80  }
.Ltmp11:
0x16c: {  	_ = 	snop;
	(pc) =	sbr.rel @p0 .LBB2_24-.Ltmp11, $4  }
0x16d: {  	_ = 	snop  }
0x16e: {  	s29 =	sadd.s32 s26, s12  }
0x16f: {  	[tilespmem:s28], [sflag:$0x3] =	stream.linear.gather [hbm4b:s29+s3], $0x80, $0x38;
	[tilespmem:$0x1E780] =	vst v63  }
0x170: {  	s26 =	sadd.s32 $0x80, s26;
	s28 =	sadd.s32 $0x100, s28  }
0x171: {  	s29 =	simm.s32 $0x40F0  }
0x172: {  	v12 =	vld [tilespmem:s29+$0xFFFFFFD0]  }
0x173: {  	v4 =	vld [tilespmem:s29+$0xFFFFFFE0]  }
0x174: {  	v5 =	vld [tilespmem:s29+$0xFFFFFFF0]  }
0x175: {  	v6 =	vld [tilespmem:s29+$0xFFFFFF90]  }
0x176: {  	v7 =	vld [tilespmem:s29+$0xFFFFFFA0]  }
0x177: {  	v8 =	vld [tilespmem:s29+$0xFFFFFFB0]  }
0x178: {  	s26 =	simm.s32 $0x1070;
	v9 =	vld [tilespmem:s29+$0xFFFFFFC0]  }
0x179: {  	v10 =	vld [tilespmem:s26+$0xFFFFFFD0]  }
0x17a: {  	v11 =	vld [tilespmem:s26+$0xFFFFFFE0]  }
0x17b: {  	v14 =	vld [tilespmem:s26+$0xFFFFFF90]  }
0x17c: {  	v15 =	vld [tilespmem:s26+$0xFFFFFFA0]  }
0x17d: {  	v16 =	vld [tilespmem:s26+$0xFFFFFFB0]  }
0x17e: {  	v18 =	vld [tilespmem:s26+$0xFFFFFFC0]  }
0x17f: {  	v19 =	vld [tilespmem:s26+$0xFFFFFFF0]  }
0x180: {  	v20 =	vld [tilespmem:s26+$0x0]  }
0x181: {  	v21 =	vld.idx.msk [tilespmem:v10+s18+$0x0], $0xffff  }
0x182: {  	v13 =	vld.idx.msk [tilespmem:v11+s18+$0x0], $0xffff  }
0x183: {  	v17 =	vld.idx.msk [tilespmem:v14+s18+$0x0], $0xffff  }
0x184: {  	v14 =	vld.idx.msk [tilespmem:v15+s18+$0x0], $0xffff  }
0x185: {  	v16 =	vld.idx.msk [tilespmem:v16+s18+$0x0], $0xffff  }
0x186: {  	v15 =	vld.idx.msk [tilespmem:v18+s18+$0x0], $0xffff  }
0x187: {  	v11 =	vld.idx.msk [tilespmem:v19+s18+$0x0], $0xffff  }
0x188: {  	v10 =	vld.idx.msk [tilespmem:v20+s18+$0x0], $0xffff  }
0x189: {  	s28 =	simm.s32 $0x0;
	v18 =	vsub.f32 v12, v21;
	v12 =	vld [tilespmem:s29+$0x0];
	s29 =	simm.s32 $0x41F0  }
.LBB2_26:
0x18a: {  	v19 =	vld [tilespmem:s29+$0xFFFFFFD0];
	v17 =	vsub.f32 v6, v17;
	v6 =	vsub.f32 v4, v13  }
0x18b: {  	v7 =	vsub.f32 v7, v14;
	v8 =	vsub.f32 v8, v16;
	v4 =	vld [tilespmem:s29+$0xFFFFFFE0]  }
0x18c: {  	v9 =	vsub.f32 v9, v15;
	v14 =	vmul.f32 v18, v18;
	v13 =	vld [tilespmem:s29+$0xFFFFFFF0];
	v15 =	vmul.f32 v6, v6  }
0x18d: {  	v16 =	vmul.f32 v17, v17;
	v17 =	vmul.f32 v7, v7;
	v5 =	vsub.f32 v5, v11;
	v6 =	vld [tilespmem:s29+$0xFFFFFF90]  }
0x18e: {  	v11 =	vmul.f32 v8, v8;
	v18 =	vmul.f32 v9, v9;
	v7 =	vld [tilespmem:s29+$0xFFFFFFA0];
	v10 =	vsub.f32 v12, v10  }
0x18f: {  	v0 =	vadd.f32 v16, v0;
	v1 =	vadd.f32 v17, v1;
	v12 =	vmul.f32 v5, v5;
	v8 =	vld [tilespmem:s29+$0xFFFFFFB0]  }
0x190: {  	s26 =	sadd.s32 $0x80, s26;
	v2 =	vadd.f32 v11, v2;
	v3 =	vadd.f32 v18, v3;
	v9 =	vld [tilespmem:s29+$0xFFFFFFC0];
	v10 =	vmul.f32 v10, v10  }
0x191: {  	v0 =	vadd.f32 v14, v0;
	v1 =	vadd.f32 v15, v1;
	v11 =	vld [tilespmem:s26+$0xFFFFFFD0];
	v5 =	vmov v13  }
0x192: {  	v2 =	vadd.f32 v12, v2;
	v13 =	vld [tilespmem:s26+$0xFFFFFFE0];
	v3 =	vadd.f32 v10, v3  }
0x193: {  	v10 =	vld [tilespmem:s26+$0xFFFFFF90]  }
0x194: {  	v12 =	vld [tilespmem:s26+$0xFFFFFFA0]  }
0x195: {  	v15 =	vld [tilespmem:s26+$0xFFFFFFB0]  }
0x196: {  	s28 =	sadd.s32 $0x80, s28;
	v18 =	vld [tilespmem:s26+$0xFFFFFFC0]  }
0x197: {  	p0 =	slt.u32 s28, $0xF80;
	v20 =	vld [tilespmem:s26+$0xFFFFFFF0]  }
0x198: {  	v21 =	vld [tilespmem:s26+$0x0]  }
0x199: {  	v22 =	vld.idx.msk [tilespmem:v11+s18+$0x0], $0xffff  }
0x19a: {  	v13 =	vld.idx.msk [tilespmem:v13+s18+$0x0], $0xffff  }
0x19b: {  	v17 =	vld.idx.msk [tilespmem:v10+s18+$0x0], $0xffff  }
0x19c: {  	v14 =	vld.idx.msk [tilespmem:v12+s18+$0x0], $0xffff  }
.Ltmp12:
0x19d: {  	v16 =	vld.idx.msk [tilespmem:v15+s18+$0x0], $0xffff;
	(pc) =	sbr.rel @p0 .LBB2_26-.Ltmp12, $4  }
0x19e: {  	v15 =	vld.idx.msk [tilespmem:v18+s18+$0x0], $0xffff  }
0x19f: {  	v11 =	vld.idx.msk [tilespmem:v20+s18+$0x0], $0xffff  }
0x1a0: {  	v10 =	vld.idx.msk [tilespmem:v21+s18+$0x0], $0xffff  }
0x1a1: {  	v18 =	vsub.f32 v19, v22;
	v12 =	vld [tilespmem:s29+$0x0];
	s29 =	sadd.s32 $0x100, s29  }
0x1a2: {  	v6 =	vsub.f32 v6, v17;
	v4 =	vsub.f32 v4, v13  }
0x1a3: {  	v7 =	vsub.f32 v7, v14;
	v8 =	vsub.f32 v8, v16  }
0x1a4: {  	v9 =	vsub.f32 v9, v15;
	v60 =	vmul.f32 v18, v18;
	v4 =	vmul.f32 v4, v4  }
0x1a5: {  	v6 =	vmul.f32 v6, v6;
	v7 =	vmul.f32 v7, v7;
	v5 =	vsub.f32 v5, v11  }
0x1a6: {  	v8 =	vmul.f32 v8, v8;
	v9 =	vmul.f32 v9, v9;
	v10 =	vsub.f32 v12, v10  }
0x1a7: {  	v0 =	vadd.f32 v6, v0;
	v1 =	vadd.f32 v7, v1;
	v5 =	vmul.f32 v5, v5  }
0x1a8: {  	_ =	swait.ge [sflag:s20], $0x1000;
	v61 =	vadd.f32 v8, v2;
	v62 =	vadd.f32 v9, v3;
	v63 =	vmul.f32 v10, v10  }
0x1a9: {  	[sflag:s20] =	ssyncset.done $0x0;
	v3 =	vadd.f32 v60, v0;
	v2 =	vadd.f32 v4, v1  }
0x1aa: {  	s26 =	simm.s32 $0x0;
	s28 =	simm.s32 $0x4080;
	[sflag:s20] =	ssyncadd.s32 $0xFFFFF000;
	v1 =	vadd.f32 v5, v61;
	v0 =	vadd.f32 v63, v62  }
.LBB2_28:
0x1ab: {  	p0 =	sne.s32 s26, $0xF80  }
.Ltmp13:
0x1ac: {  	_ = 	snop;
	(pc) =	sbr.rel @p0 .LBB2_28-.Ltmp13, $4  }
0x1ad: {  	_ = 	snop  }
0x1ae: {  	s29 =	sadd.s32 s26, s13  }
0x1af: {  	[tilespmem:s28], [sflag:$0x4] =	stream.linear.gather [hbm4b:s29+s3], $0x80, $0x38;
	[tilespmem:$0x1E780] =	vst v63  }
0x1b0: {  	s26 =	sadd.s32 $0x80, s26;
	s28 =	sadd.s32 $0x100, s28  }
0x1b1: {  	s29 =	simm.s32 $0x4040  }
0x1b2: {  	v4 =	vld [tilespmem:s29+$0x0]  }
0x1b3: {  	v5 =	vld [tilespmem:s29+$0x10]  }
0x1b4: {  	v9 =	vld [tilespmem:s29+$0x20]  }
0x1b5: {  	v10 =	vld [tilespmem:s29+$0xFFFFFFC0]  }
0x1b6: {  	v11 =	vld [tilespmem:s29+$0xFFFFFFD0]  }
0x1b7: {  	v13 =	vld [tilespmem:s29+$0xFFFFFFE0]  }
0x1b8: {  	s26 =	simm.s32 $0x2070;
	v14 =	vld [tilespmem:s29+$0xFFFFFFF0]  }
0x1b9: {  	v6 =	vld [tilespmem:s26+$0xFFFFFFD0]  }
0x1ba: {  	v7 =	vld [tilespmem:s26+$0xFFFFFFE0]  }
0x1bb: {  	v8 =	vld [tilespmem:s26+$0xFFFFFF90]  }
0x1bc: {  	v12 =	vld [tilespmem:s26+$0xFFFFFFA0]  }
0x1bd: {  	v15 =	vld [tilespmem:s26+$0xFFFFFFB0]  }
0x1be: {  	v16 =	vld [tilespmem:s26+$0xFFFFFFC0]  }
0x1bf: {  	v17 =	vld [tilespmem:s26+$0xFFFFFFF0]  }
0x1c0: {  	v18 =	vld [tilespmem:s26+$0x0]  }
0x1c1: {  	v6 =	vld.idx.msk [tilespmem:v6+s18+$0x0], $0xffff  }
0x1c2: {  	v19 =	vld.idx.msk [tilespmem:v7+s18+$0x0], $0xffff  }
0x1c3: {  	v24 =	vld.idx.msk [tilespmem:v8+s18+$0x0], $0xffff  }
0x1c4: {  	v23 =	vld.idx.msk [tilespmem:v12+s18+$0x0], $0xffff  }
0x1c5: {  	v22 =	vld.idx.msk [tilespmem:v15+s18+$0x0], $0xffff  }
0x1c6: {  	v20 =	vld.idx.msk [tilespmem:v16+s18+$0x0], $0xffff  }
0x1c7: {  	v17 =	vld.idx.msk [tilespmem:v17+s18+$0x0], $0xffff  }
0x1c8: {  	v16 =	vld.idx.msk [tilespmem:v18+s18+$0x0], $0xffff  }
0x1c9: {  	s28 =	simm.s32 $0x0;
	v18 =	vld [tilespmem:s29+$0x30];
	s29 =	simm.s32 $0x4140;
	v21 =	vsub.f32 v4, v6  }
.LBB2_30:
0x1ca: {  	v4 =	vld [tilespmem:s29+$0x0];
	v6 =	vsub.f32 v10, v24;
	v7 =	vsub.f32 v5, v19  }
0x1cb: {  	v8 =	vsub.f32 v11, v23;
	v12 =	vsub.f32 v13, v22;
	v5 =	vld [tilespmem:s29+$0x10]  }
0x1cc: {  	v13 =	vsub.f32 v14, v20;
	v19 =	vmul.f32 v21, v21;
	v15 =	vld [tilespmem:s29+$0x20];
	v7 =	vmul.f32 v7, v7  }
0x1cd: {  	v6 =	vmul.f32 v6, v6;
	v8 =	vmul.f32 v8, v8;
	v9 =	vsub.f32 v9, v17;
	v10 =	vld [tilespmem:s29+$0xFFFFFFC0]  }
0x1ce: {  	v12 =	vmul.f32 v12, v12;
	v17 =	vmul.f32 v13, v13;
	v11 =	vld [tilespmem:s29+$0xFFFFFFD0];
	v16 =	vsub.f32 v18, v16  }
0x1cf: {  	v3 =	vadd.f32 v6, v3;
	v2 =	vadd.f32 v8, v2;
	v6 =	vmul.f32 v9, v9;
	v13 =	vld [tilespmem:s29+$0xFFFFFFE0]  }
0x1d0: {  	s26 =	sadd.s32 $0x80, s26;
	v1 =	vadd.f32 v12, v1;
	v0 =	vadd.f32 v17, v0;
	v14 =	vld [tilespmem:s29+$0xFFFFFFF0];
	v8 =	vmul.f32 v16, v16  }
0x1d1: {  	v3 =	vadd.f32 v19, v3;
	v2 =	vadd.f32 v7, v2;
	v12 =	vld [tilespmem:s26+$0xFFFFFFD0];
	v9 =	vmov v15  }
0x1d2: {  	v1 =	vadd.f32 v6, v1;
	v7 =	vld [tilespmem:s26+$0xFFFFFFE0];
	v0 =	vadd.f32 v8, v0  }
0x1d3: {  	v6 =	vld [tilespmem:s26+$0xFFFFFF90]  }
0x1d4: {  	v8 =	vld [tilespmem:s26+$0xFFFFFFA0]  }
0x1d5: {  	v15 =	vld [tilespmem:s26+$0xFFFFFFB0]  }
0x1d6: {  	s28 =	sadd.s32 $0x80, s28;
	v16 =	vld [tilespmem:s26+$0xFFFFFFC0]  }
0x1d7: {  	p0 =	slt.u32 s28, $0xF80;
	v17 =	vld [tilespmem:s26+$0xFFFFFFF0]  }
0x1d8: {  	v18 =	vld [tilespmem:s26+$0x0]  }
0x1d9: {  	v12 =	vld.idx.msk [tilespmem:v12+s18+$0x0], $0xffff  }
0x1da: {  	v19 =	vld.idx.msk [tilespmem:v7+s18+$0x0], $0xffff  }
0x1db: {  	v24 =	vld.idx.msk [tilespmem:v6+s18+$0x0], $0xffff  }
0x1dc: {  	v23 =	vld.idx.msk [tilespmem:v8+s18+$0x0], $0xffff  }
.Ltmp14:
0x1dd: {  	v22 =	vld.idx.msk [tilespmem:v15+s18+$0x0], $0xffff;
	(pc) =	sbr.rel @p0 .LBB2_30-.Ltmp14, $4  }
0x1de: {  	v20 =	vld.idx.msk [tilespmem:v16+s18+$0x0], $0xffff  }
0x1df: {  	v17 =	vld.idx.msk [tilespmem:v17+s18+$0x0], $0xffff  }
0x1e0: {  	v16 =	vld.idx.msk [tilespmem:v18+s18+$0x0], $0xffff  }
0x1e1: {  	v21 =	vsub.f32 v4, v12;
	v18 =	vld [tilespmem:s29+$0x30];
	s29 =	sadd.s32 $0x100, s29  }
0x1e2: {  	_ =	swait.ge [sflag:s22], $0x1000  }
0x1e3: {  	[sflag:s22] =	ssyncset.done $0x0  }
0x1e4: {  	s29 =	simm.s32 $0x40F0;
	[sflag:s22] =	ssyncadd.s32 $0xFFFFF000  }
0x1e5: {  	v25 =	vld [tilespmem:s29+$0xFFFFFFD0]  }
0x1e6: {  	v4 =	vld [tilespmem:s29+$0xFFFFFFE0]  }
0x1e7: {  	v6 =	vld [tilespmem:s29+$0xFFFFFFF0]  }
0x1e8: {  	v7 =	vld [tilespmem:s29+$0xFFFFFF90]  }
0x1e9: {  	v8 =	vld [tilespmem:s29+$0xFFFFFFA0]  }
0x1ea: {  	v12 =	vld [tilespmem:s29+$0xFFFFFFB0]  }
0x1eb: {  	s26 =	simm.s32 $0x3070;
	v15 =	vld [tilespmem:s29+$0xFFFFFFC0]  }
0x1ec: {  	v26 =	vld [tilespmem:s26+$0xFFFFFFD0]  }
0x1ed: {  	v27 =	vld [tilespmem:s26+$0xFFFFFFE0]  }
0x1ee: {  	v14 =	vsub.f32 v14, v20;
	v28 =	vld [tilespmem:s26+$0xFFFFFF90]  }
0x1ef: {  	v29 =	vld [tilespmem:s26+$0xFFFFFFA0]  }
0x1f0: {  	v30 =	vld [tilespmem:s26+$0xFFFFFFB0];
	v14 =	vmul.f32 v14, v14;
	v18 =	vsub.f32 v18, v16  }
0x1f1: {  	v31 =	vld [tilespmem:s26+$0xFFFFFFC0]  }
0x1f2: {  	v32 =	vld [tilespmem:s26+$0xFFFFFFF0];
	v0 =	vadd.f32 v14, v0;
	v14 =	vmul.f32 v18, v18  }
0x1f3: {  	v60 =	vld [tilespmem:s26+$0x0]  }
0x1f4: {  	v0 =	vadd.f32 v14, v0;
	v14 =	vld [tilespmem:s29+$0x0]  }
0x1f5: {  	v10 =	vsub.f32 v10, v24;
	v11 =	vsub.f32 v11, v23;
	v61 =	vld.idx.msk [tilespmem:v26+s18+$0x0], $0xffff  }
0x1f6: {  	v19 =	vsub.f32 v5, v19;
	v13 =	vsub.f32 v13, v22;
	v5 =	vld.idx.msk [tilespmem:v27+s18+$0x0], $0xffff  }
0x1f7: {  	v62 =	vmul.f32 v10, v10;
	v9 =	vsub.f32 v9, v17;
	v17 =	vmul.f32 v11, v11;
	v10 =	vld.idx.msk [tilespmem:v28+s18+$0x0], $0xffff  }
0x1f8: {  	v20 =	vmul.f32 v21, v21;
	v13 =	vmul.f32 v13, v13;
	v11 =	vld.idx.msk [tilespmem:v29+s18+$0x0], $0xffff  }
0x1f9: {  	v19 =	vmul.f32 v19, v19;
	v3 =	vadd.f32 v62, v3;
	v2 =	vadd.f32 v17, v2;
	v16 =	vld.idx.msk [tilespmem:v30+s18+$0x0], $0xffff  }
0x1fa: {  	v63 =	vadd.f32 v13, v1;
	v9 =	vmul.f32 v9, v9;
	v17 =	vld.idx.msk [tilespmem:v31+s18+$0x0], $0xffff  }
0x1fb: {  	v1 =	vadd.f32 v20, v3;
	v3 =	vadd.f32 v19, v2;
	v13 =	vld.idx.msk [tilespmem:v32+s18+$0x0], $0xffff  }
0x1fc: {  	s28 =	simm.s32 $0x0;
	v2 =	vadd.f32 v9, v63;
	s29 =	simm.s32 $0x41F0;
	v9 =	vld.idx.msk [tilespmem:v60+s18+$0x0], $0xffff;
	v18 =	vsub.f32 v25, v61  }
.LBB2_32:
0x1fd: {  	v19 =	vld [tilespmem:s29+$0xFFFFFFD0];
	v10 =	vsub.f32 v7, v10;
	v5 =	vsub.f32 v4, v5  }
0x1fe: {  	v8 =	vsub.f32 v8, v11;
	v11 =	vsub.f32 v12, v16;
	v4 =	vld [tilespmem:s29+$0xFFFFFFE0]  }
0x1ff: {  	v12 =	vsub.f32 v15, v17;
	v17 =	vmul.f32 v18, v18;
	v16 =	vld [tilespmem:s29+$0xFFFFFFF0];
	v5 =	vmul.f32 v5, v5  }
0x200: {  	v10 =	vmul.f32 v10, v10;
	v15 =	vmul.f32 v8, v8;
	v6 =	vsub.f32 v6, v13;
	v7 =	vld [tilespmem:s29+$0xFFFFFF90]  }
0x201: {  	v11 =	vmul.f32 v11, v11;
	v13 =	vmul.f32 v12, v12;
	v8 =	vld [tilespmem:s29+$0xFFFFFFA0];
	v9 =	vsub.f32 v14, v9  }
0x202: {  	v1 =	vadd.f32 v10, v1;
	v3 =	vadd.f32 v15, v3;
	v10 =	vmul.f32 v6, v6;
	v12 =	vld [tilespmem:s29+$0xFFFFFFB0]  }
0x203: {  	s26 =	sadd.s32 $0x80, s26;
	v2 =	vadd.f32 v11, v2;
	v0 =	vadd.f32 v13, v0;
	v15 =	vld [tilespmem:s29+$0xFFFFFFC0];
	v9 =	vmul.f32 v9, v9  }
0x204: {  	v1 =	vadd.f32 v17, v1;
	v3 =	vadd.f32 v5, v3;
	v11 =	vld [tilespmem:s26+$0xFFFFFFD0];
	v6 =	vmov v16  }
0x205: {  	v2 =	vadd.f32 v10, v2;
	v5 =	vld [tilespmem:s26+$0xFFFFFFE0];
	v0 =	vadd.f32 v9, v0  }
0x206: {  	v9 =	vld [tilespmem:s26+$0xFFFFFF90]  }
0x207: {  	v13 =	vld [tilespmem:s26+$0xFFFFFFA0]  }
0x208: {  	v14 =	vld [tilespmem:s26+$0xFFFFFFB0]  }
0x209: {  	s28 =	sadd.s32 $0x80, s28;
	v17 =	vld [tilespmem:s26+$0xFFFFFFC0]  }
0x20a: {  	p0 =	slt.u32 s28, $0xF80;
	v18 =	vld [tilespmem:s26+$0xFFFFFFF0]  }
0x20b: {  	v20 =	vld [tilespmem:s26+$0x0]  }
0x20c: {  	v21 =	vld.idx.msk [tilespmem:v11+s18+$0x0], $0xffff  }
0x20d: {  	v5 =	vld.idx.msk [tilespmem:v5+s18+$0x0], $0xffff  }
0x20e: {  	v10 =	vld.idx.msk [tilespmem:v9+s18+$0x0], $0xffff  }
0x20f: {  	v11 =	vld.idx.msk [tilespmem:v13+s18+$0x0], $0xffff  }
.Ltmp15:
0x210: {  	v16 =	vld.idx.msk [tilespmem:v14+s18+$0x0], $0xffff;
	(pc) =	sbr.rel @p0 .LBB2_32-.Ltmp15, $4  }
0x211: {  	v17 =	vld.idx.msk [tilespmem:v17+s18+$0x0], $0xffff  }
0x212: {  	v13 =	vld.idx.msk [tilespmem:v18+s18+$0x0], $0xffff  }
0x213: {  	v9 =	vld.idx.msk [tilespmem:v20+s18+$0x0], $0xffff  }
0x214: {  	v18 =	vsub.f32 v19, v21;
	v14 =	vld [tilespmem:s29+$0x0];
	s29 =	sadd.s32 $0x100, s29  }
0x215: {  	v7 =	vsub.f32 v7, v10;
	v8 =	vsub.f32 v8, v11  }
0x216: {  	v4 =	vsub.f32 v4, v5;
	v57 =	vsub.f32 v12, v16  }
0x217: {  	v58 =	vsub.f32 v15, v17;
	v7 =	vmul.f32 v7, v7;
	v8 =	vmul.f32 v8, v8  }
0x218: {  	v59 =	vmul.f32 v18, v18;
	v6 =	vsub.f32 v6, v13;
	v5 =	vmul.f32 v57, v57  }
0x219: {  	v4 =	vmul.f32 v4, v4;
	v1 =	vadd.f32 v7, v1;
	v3 =	vadd.f32 v8, v3  }
0x21a: {  	v60 =	vmul.f32 v58, v58;
	v61 =	vsub.f32 v14, v9;
	v2 =	vadd.f32 v5, v2  }
0x21b: {  	v62 =	vmul.f32 v6, v6;
	v1 =	vadd.f32 v59, v1;
	v3 =	vadd.f32 v4, v3  }
0x21c: {  	v0 =	vadd.f32 v60, v0  }
0x21d: {  	v63 =	vmul.f32 v61, v61;
	v2 =	vadd.f32 v62, v2;
	v1 =	vadd.f32 v3, v1;
	_ =	sdelay $0x1  }
0x21e: {  	v0 =	vadd.f32 v63, v0;
	v1 =	vadd.f32 v2, v1;
	_ =	sdelay $0x1  }
0x21f: {  	s25 =	sadd.s32 $0x1, s25;
	v0 =	vadd.f32 v0, v1  }
0x220: {  	p0 =	sne.s32 s25, s15  }
.Ltmp16:
0x221: {  	[tilespmem:$0x1E700] =	vst v0;
	(pc) =	sbr.rel @p0 .LBB2_1-.Ltmp16, $4  }
0x222: {  	[hbm4b:s14+s3] =	stream.linear.scatter [tilespmem:s23], [sflag:$0x5], $0x80, $0x38;
	[tilespmem:$0x1E780] =	vst v63  }
0x223: {  	_ =	swait.ge [sflag:s24], $0x80  }
0x224: {  	[sflag:s24] =	ssyncset.done $0x0  }
0x225: {  	[sflag:s24] =	ssyncadd.s32 $0xFFFFFF80  }
0x226: {  	_ =	sfence.sel $0x180000  }
0x227: {  	[bflag:$0x0] =	sbarrier.arrive $0xFFFF  }
0x228: {  	p0 =	sne.s32 s2, $0x0;
	_ =	strace $0x90000047  }
0x229: {  	s0 =	sadd.s32 @!p0 $0x100000, s0;
	[bflag:$0x2] =	sbarrier.arrive $0xFFFF  }
0x22a: {  	[sflag:s0] =	ssyncadd.tile.s32 @!p0 $0x1;
	_ =	shalt  }
.Lfunc_end2:
_tile_overlayer_lowered:
.L_overlay_start_2:
0x22b: {  	(tag) =	ssettag $0x2  }
0x22c: {  	s0 =	rddreg [dreg:$0x0];
	s2 =	stileid.u32  }
0x22d: {  	s1 =	rddreg [dreg:$0x1];
	p0 =	sne.s32 s2, $0x0  }
0x22e: {  	s3 =	rddreg [dreg:$0x2];
	[bflag:$0x3] =	sbarrier.arrive $0xFFFF;
	s2 =	simm.s32 @!p0 $0x1C05  }
0x22f: {  	[timem:s3], [sflag:s2] =	dma.local @!p0 [hbm:s0], s1  }
0x230: {  	s0 =	simm.s32 @!p0 $0x5  }
0x231: {  	_ =	swait.ge @!p0 [sflag:s0], s1  }
0x232: {  	s1 =	ssub.s32 @!p0 $0x0, s1;
	[sflag:s0] =	ssyncset.done @!p0 $0x0  }
0x233: {  	[sflag:s0] =	ssyncadd.s32 @!p0 s1  }
0x234: {  	[bflag:$0x3] =	sbarrier.arrive $0xFFFF  }
0x235: {  	_ =	shalt  }

</sc_bundles>
